<compile_context>
chip_gen: v7x
topology: tpu7x:2x2x1
jax: 0.10.2.dev20260603
libtpu: 0.0.44.dev20260713+nightly
codegen_flags: <defaults>
</compile_context>

<pallas_src>
import functools

import jax
import jax.numpy as jnp
from jax import lax
from jax.experimental import pallas as pl
from jax.experimental.pallas import tpu as pltpu
from jax.experimental.pallas import tpu_sc as plsc

DIM = 128
BATCH = 16384
LANES = 16
CHUNK = 64


def _hour_from_unix(tv):
    n = lax.shift_right_logical(tv, 7)
    q = (n.astype(jnp.float32) * jnp.float32(1.0 / 675.0)).astype(jnp.int32)
    r = tv - q * 86400
    r = jnp.where(r < 0, r + 86400, r)
    r = jnp.where(r >= 86400, r - 86400, r)
    h = (r.astype(jnp.float32) * jnp.float32(1.0 / 3600.0)).astype(jnp.int32)
    rem = r - h * 3600
    h = jnp.where(rem < 0, h - 1, h)
    rem = jnp.where(rem < 0, rem + 3600, rem)
    h = jnp.where(rem >= 3600, h + 1, h)
    return h


def kernel(t, week_emb, day_emb, month_emb, hour_emb):
    del week_emb, day_emb, month_emb
    info = plsc.get_sparse_core_info()
    nc, ns = info.num_cores, info.num_subcores
    nw = nc * ns
    bpw = BATCH // nw
    nchunks = bpw // CHUNK

    mesh = plsc.VectorSubcoreMesh(core_axis_name="c", subcore_axis_name="s")

    @functools.partial(
        pl.kernel,
        mesh=mesh,
        out_type=jax.ShapeDtypeStruct((BATCH, DIM), jnp.float32),
        scratch_types=[
            pltpu.VMEM((bpw,), jnp.int32),
            pltpu.VMEM((nchunks, CHUNK), jnp.int32),
            pltpu.VMEM((nchunks, CHUNK, DIM), jnp.float32),
            pltpu.VMEM_SHARED((24, DIM), jnp.float32),
        ] + [pltpu.SemaphoreType.DMA] * (nchunks + 3),
    )
    def sc_lookup(t_hbm, tab_hbm, out_hbm, t_v, idx_v, rows_v, tab_sh, *sems):
        gsems, ssem, stsem = sems[:nchunks + 1], sems[nchunks + 1], sems[nchunks + 2]
        sid = lax.axis_index("s")
        wid = sid * nc + lax.axis_index("c")
        base = wid * bpw

        @pl.when(sid == 0)
        def _stage_table():
            pltpu.async_copy(tab_hbm, tab_sh, stsem)

        pltpu.sync_copy(t_hbm.at[pl.ds(base, bpw)], t_v)

        @pl.when(sid == 0)
        def _stage_wait():
            pltpu.make_async_copy(tab_hbm, tab_sh, stsem).wait()

        pieces = [(0, LANES), (LANES, CHUNK - LANES)]
        pieces += [(j * CHUNK, CHUNK) for j in range(1, nchunks)]

        gathers = []
        for p, (off, ln) in enumerate(pieces):
            row, col = off // CHUNK, off % CHUNK

            def _compute(k, carry, off=off, row=row, col=col):
                tv = t_v[pl.ds(off + k * LANES, LANES)]
                idx_v[row, pl.ds(col + k * LANES, LANES)] = _hour_from_unix(tv)
                return carry

            lax.fori_loop(0, ln // LANES, _compute, 0)
            if p == 0:
                plsc.subcore_barrier()
            gathers.append(
                pltpu.async_copy(tab_sh.at[idx_v.at[row, pl.ds(col, ln)]],
                                 rows_v.at[row, pl.ds(col, ln)], gsems[p]))

        scatters = []
        for p, (off, ln) in enumerate(pieces):
            row, col = off // CHUNK, off % CHUNK
            gathers[p].wait()
            scatters.append(
                pltpu.async_copy(rows_v.at[row, pl.ds(col, ln)],
                                 out_hbm.at[pl.ds(base + off, ln)], ssem))
        for p in range(len(pieces)):
            scatters[p].wait()

    return sc_lookup(t, hour_emb)

# --- scband reference (transcript-rebuilt; emitter-appended) ---
"""Pipeline reference for scband-semantic-encoder-32719060861545 (READ-ONLY COPY).

The authoritative reference and input builder live on the scoring server;
editing this copy changes nothing except your own understanding.
"""

import jax, jax.numpy as jnp
import numpy as np

DIM = 128
BATCH = 16384


def _civil_fields(t):
    # t: unix seconds (int). Returns (weekday[Mon=0], day[1..31], month[1..12], hour[0..23])
    days = jnp.floor_divide(t, 86400)
    secs = t - days * 86400
    hour = jnp.floor_divide(secs, 3600)
    weekday = jnp.mod(days + 3, 7)  # 1970-01-01 was Thursday -> pandas weekday 3
    # Howard Hinnant civil_from_days algorithm
    z = days + 719468
    era = jnp.floor_divide(z, 146097)
    doe = z - era * 146097
    yoe = jnp.floor_divide(
        doe - jnp.floor_divide(doe, 1460) + jnp.floor_divide(doe, 36524) - jnp.floor_divide(doe, 146096),
        365,
    )
    doy = doe - (365 * yoe + jnp.floor_divide(yoe, 4) - jnp.floor_divide(yoe, 100))
    mp = jnp.floor_divide(5 * doy + 2, 153)
    day = doy - jnp.floor_divide(153 * mp + 2, 5) + 1
    month = jnp.where(mp < 10, mp + 3, mp - 9)
    return weekday, day, month, hour


def setup_inputs(seed: int = 0) -> dict:
    key = jax.random.key(seed)
    k_t, k_w, k_d, k_m, k_h = jax.random.split(key, 5)
    t = jax.random.randint(k_t, (BATCH,), 0, 2000000000)
    week_emb = jax.random.normal(k_w, (7, DIM), dtype=jnp.float32)
    month_emb = jax.random.normal(k_m, (12, DIM), dtype=jnp.float32)
    day_emb = jax.random.normal(k_d, (31, DIM), dtype=jnp.float32)
    hour_emb = jax.random.normal(k_h, (24, DIM), dtype=jnp.float32)
    return {
        "t": t,
        "week_emb": week_emb,
        "day_emb": day_emb,
        "month_emb": month_emb,
        "hour_emb": hour_emb,
    }


def reference(t, week_emb, day_emb, month_emb, hour_emb):
    week, day, month, hour = _civil_fields(t)
    w = jnp.take(week_emb, week, axis=0)
    d = jnp.take(day_emb, day - 1, axis=0)
    m = jnp.take(month_emb, month - 1, axis=0)
    h = jnp.take(hour_emb, hour, axis=0)
    # original module computes all four embeddings but returns only hour_emb
    return h

if __name__ == "__main__":
    import jax
    _d = setup_inputs()
    print(jax.jit(kernel)(*tuple(_d.values())))

</pallas_src>

<mosaic_0001>
#map = affine_map<(d0, d1) -> (0)>
#map1 = affine_map<(d0, d1) -> (0, 0)>
module attributes {stable_mosaic.version = 14 : i64} {
  func.func @sc_lookup(%arg0: i32, %arg1: i32, %arg2: memref<16384xi32, #tpu.memory_space<hbm>>, %arg3: memref<24x128xf32, #tpu.memory_space<hbm>>, %arg4: memref<16384x128xf32, #tpu.memory_space<hbm>>, %arg5: memref<512xi32, #tpu.memory_space<vmem>>, %arg6: memref<8x64xi32, #tpu.memory_space<vmem>>, %arg7: memref<8x64x128xf32, #tpu.memory_space<vmem>>, %arg8: memref<24x128xf32, #tpu.memory_space<vmem_shared>>, %arg9: memref<!tpu.dma_semaphore, #tpu.memory_space<semaphore_mem>>, %arg10: memref<!tpu.dma_semaphore, #tpu.memory_space<semaphore_mem>>, %arg11: memref<!tpu.dma_semaphore, #tpu.memory_space<semaphore_mem>>, %arg12: memref<!tpu.dma_semaphore, #tpu.memory_space<semaphore_mem>>, %arg13: memref<!tpu.dma_semaphore, #tpu.memory_space<semaphore_mem>>, %arg14: memref<!tpu.dma_semaphore, #tpu.memory_space<semaphore_mem>>, %arg15: memref<!tpu.dma_semaphore, #tpu.memory_space<semaphore_mem>>, %arg16: memref<!tpu.dma_semaphore, #tpu.memory_space<semaphore_mem>>, %arg17: memref<!tpu.dma_semaphore, #tpu.memory_space<semaphore_mem>>, %arg18: memref<!tpu.dma_semaphore, #tpu.memory_space<semaphore_mem>>, %arg19: memref<!tpu.dma_semaphore, #tpu.memory_space<semaphore_mem>>) attributes {dimension_semantics = [#tpu.dimension_semantics<core_parallel>, #tpu.dimension_semantics<subcore_parallel>], iteration_bounds = array<i64: 2, 16>, scalar_prefetch = 0 : i64, scratch_operands = 15 : i64, tpu.core_type = #tpu.core_type<sc_vector_subcore>, window_params = [{transform_indices = #map}, {transform_indices = #map1}, {transform_indices = #map1}]} {
    %mul3A = arith.constant 2 : i32
    %mul3A_0 = arith.muli %arg1, %mul3A : i32
    %add3A = arith.addi %mul3A_0, %arg0 : i32
    %mul3A_1 = arith.constant 512 : i32
    %mul3A_2 = arith.muli %add3A, %mul3A_1 : i32
    %eq3A = arith.constant 0 : i32
    %eq3A_3 = arith.cmpi eq, %arg1, %eq3A : i32
    %convert_element_type3A = arith.extui %eq3A_3 : i1 to i32
    %cond3A = arith.constant 0 : i32
    %cond3A_4 = arith.cmpi ne, %convert_element_type3A, %cond3A : i32
    scf.if %cond3A_4 {
      tpu.enqueue_dma source(%arg3 : memref<24x128xf32, #tpu.memory_space<hbm>>) target(%arg8 : memref<24x128xf32, #tpu.memory_space<vmem_shared>>) target_semaphore(%arg19 : memref<!tpu.dma_semaphore, #tpu.memory_space<semaphore_mem>>)
    } else {
    }
    "tpu.region"() ({
      %run_scoped3A = tpu.sem_alloc : memref<!tpu.dma_semaphore, #tpu.memory_space<semaphore_mem>>
      %dma_start3A_592 = tpu.memref_slice %arg2[%mul3A_2] : memref<16384xi32, #tpu.memory_space<hbm>> -> memref<512xi32, #tpu.memory_space<hbm>>
      %dma_start3A_593 = tpu.memref_slice %arg2[%mul3A_2] : memref<16384xi32, #tpu.memory_space<hbm>> -> memref<512xi32, #tpu.memory_space<hbm>>
      tpu.enqueue_dma source(%dma_start3A_593 : memref<512xi32, #tpu.memory_space<hbm>>) target(%arg5 : memref<512xi32, #tpu.memory_space<vmem>>) target_semaphore(%run_scoped3A : memref<!tpu.dma_semaphore, #tpu.memory_space<semaphore_mem>>)
      %dma_wait3A_594 = tpu.memref_slice %arg2[%mul3A_2] : memref<16384xi32, #tpu.memory_space<hbm>> -> memref<512xi32, #tpu.memory_space<hbm>>
      %dma_wait3A_595 = tpu.memref_slice %arg2[%mul3A_2] : memref<16384xi32, #tpu.memory_space<hbm>> -> memref<512xi32, #tpu.memory_space<hbm>>
      tpu.wait_dma2 semaphore(%run_scoped3A : memref<!tpu.dma_semaphore, #tpu.memory_space<semaphore_mem>>) src(%dma_wait3A_595 : memref<512xi32, #tpu.memory_space<hbm>>) dst(%arg5 : memref<512xi32, #tpu.memory_space<vmem>>)
      tpu.yield
    }) : () -> ()
    %eq3A_5 = arith.constant 0 : i32
    %eq3A_6 = arith.cmpi eq, %arg1, %eq3A_5 : i32
    %convert_element_type3A_7 = arith.extui %eq3A_6 : i1 to i32
    %cond3A_8 = arith.constant 0 : i32
    %cond3A_9 = arith.cmpi ne, %convert_element_type3A_7, %cond3A_8 : i32
    scf.if %cond3A_9 {
      tpu.wait_dma2 semaphore(%arg19 : memref<!tpu.dma_semaphore, #tpu.memory_space<semaphore_mem>>) src(%arg3 : memref<24x128xf32, #tpu.memory_space<hbm>>) dst(%arg8 : memref<24x128xf32, #tpu.memory_space<vmem_shared>>)
    } else {
    }
    %scan3A = arith.constant 0 : i32
    %scan3A_10 = arith.constant 0 : i32
    %mul3A_11 = arith.constant 16 : i32
    %mul3A_12 = arith.muli %scan3A_10, %mul3A_11 : i32
    %add3A_13 = arith.constant 0 : i32
    %add3A_14 = arith.addi %add3A_13, %mul3A_12 : i32
    %get3A = arith.index_cast %add3A_14 : i32 to index
    %get3A_15 = tpu.vector_load %arg5[%get3A] {strides = array<i32>} : memref<512xi32, #tpu.memory_space<vmem>>, vector<16xi32>,
    %get3A_16 = vector.shape_cast %get3A_15 : vector<16xi32> to vector<16xi32>
    %shift_right_logical3A = arith.constant 7 : i32
    %shift_right_logical3A_17 = vector.broadcast %shift_right_logical3A : i32 to vector<16xi32>
    %shift_right_logical3A_18 = arith.shrui %get3A_16, %shift_right_logical3A_17 : vector<16xi32>
    %convert_element_type3A_19 = arith.sitofp %shift_right_logical3A_18 : vector<16xi32> to vector<16xf32>
    %mul3A_20 = arith.constant 0.00148148148 : f32
    %mul3A_21 = vector.broadcast %mul3A_20 : f32 to vector<16xf32>
    %mul3A_22 = arith.mulf %convert_element_type3A_19, %mul3A_21 : vector<16xf32>
    %convert_element_type3A_23 = arith.fptosi %mul3A_22 : vector<16xf32> to vector<16xi32>
    %mul3A_24 = arith.constant 86400 : i32
    %mul3A_25 = vector.broadcast %mul3A_24 : i32 to vector<16xi32>
    %mul3A_26 = arith.muli %convert_element_type3A_23, %mul3A_25 : vector<16xi32>
    %sub3A = arith.subi %get3A_16, %mul3A_26 : vector<16xi32>
    %lt3A = arith.constant 0 : i32
    %lt3A_27 = vector.broadcast %lt3A : i32 to vector<16xi32>
    %lt3A_28 = arith.cmpi slt, %sub3A, %lt3A_27 : vector<16xi32>
    %add3A_29 = arith.constant 86400 : i32
    %add3A_30 = vector.broadcast %add3A_29 : i32 to vector<16xi32>
    %add3A_31 = arith.addi %sub3A, %add3A_30 : vector<16xi32>
    %select_n3A = arith.select %lt3A_28, %add3A_31, %sub3A : vector<16xi1>, vector<16xi32>
    %ge3A = arith.constant 86400 : i32
    %ge3A_32 = vector.broadcast %ge3A : i32 to vector<16xi32>
    %ge3A_33 = arith.cmpi sge, %select_n3A, %ge3A_32 : vector<16xi32>
    %sub3A_34 = arith.constant 86400 : i32
    %sub3A_35 = vector.broadcast %sub3A_34 : i32 to vector<16xi32>
    %sub3A_36 = arith.subi %select_n3A, %sub3A_35 : vector<16xi32>
    %select_n3A_37 = arith.select %ge3A_33, %sub3A_36, %select_n3A : vector<16xi1>, vector<16xi32>
    %convert_element_type3A_38 = arith.sitofp %select_n3A_37 : vector<16xi32> to vector<16xf32>
    %mul3A_39 = arith.constant 2.77777785E-4 : f32
    %mul3A_40 = vector.broadcast %mul3A_39 : f32 to vector<16xf32>
    %mul3A_41 = arith.mulf %convert_element_type3A_38, %mul3A_40 : vector<16xf32>
    %convert_element_type3A_42 = arith.fptosi %mul3A_41 : vector<16xf32> to vector<16xi32>
    %mul3A_43 = arith.constant 3600 : i32
    %mul3A_44 = vector.broadcast %mul3A_43 : i32 to vector<16xi32>
    %mul3A_45 = arith.muli %convert_element_type3A_42, %mul3A_44 : vector<16xi32>
    %sub3A_46 = arith.subi %select_n3A_37, %mul3A_45 : vector<16xi32>
    %lt3A_47 = arith.constant 0 : i32
    %lt3A_48 = vector.broadcast %lt3A_47 : i32 to vector<16xi32>
    %lt3A_49 = arith.cmpi slt, %sub3A_46, %lt3A_48 : vector<16xi32>
    %sub3A_50 = arith.constant 1 : i32
    %sub3A_51 = vector.broadcast %sub3A_50 : i32 to vector<16xi32>
    %sub3A_52 = arith.subi %convert_element_type3A_42, %sub3A_51 : vector<16xi32>
    %select_n3A_53 = arith.select %lt3A_49, %sub3A_52, %convert_element_type3A_42 : vector<16xi1>, vector<16xi32>
    %lt3A_54 = arith.constant 0 : i32
    %lt3A_55 = vector.broadcast %lt3A_54 : i32 to vector<16xi32>
    %lt3A_56 = arith.cmpi slt, %sub3A_46, %lt3A_55 : vector<16xi32>
    %add3A_57 = arith.constant 3600 : i32
    %add3A_58 = vector.broadcast %add3A_57 : i32 to vector<16xi32>
    %add3A_59 = arith.addi %sub3A_46, %add3A_58 : vector<16xi32>
    %select_n3A_60 = arith.select %lt3A_56, %add3A_59, %sub3A_46 : vector<16xi1>, vector<16xi32>
    %ge3A_61 = arith.constant 3600 : i32
    %ge3A_62 = vector.broadcast %ge3A_61 : i32 to vector<16xi32>
    %ge3A_63 = arith.cmpi sge, %select_n3A_60, %ge3A_62 : vector<16xi32>
    %add3A_64 = arith.constant 1 : i32
    %add3A_65 = vector.broadcast %add3A_64 : i32 to vector<16xi32>
    %add3A_66 = arith.addi %select_n3A_53, %add3A_65 : vector<16xi32>
    %select_n3A_67 = arith.select %ge3A_63, %add3A_66, %select_n3A_53 : vector<16xi1>, vector<16xi32>
    %mul3A_68 = arith.constant 16 : i32
    %mul3A_69 = arith.muli %scan3A_10, %mul3A_68 : i32
    %add3A_70 = arith.constant 0 : i32
    %add3A_71 = arith.addi %add3A_70, %mul3A_69 : i32
    %swap3A = arith.constant 0 : i32
    %swap3A_72 = arith.index_cast %swap3A : i32 to index
    %swap3A_73 = arith.index_cast %add3A_71 : i32 to index
    %swap3A_74 = tpu.vector_load %arg6[%swap3A_72, %swap3A_73] {strides = array<i32>} : memref<8x64xi32, #tpu.memory_space<vmem>>, vector<1x16xi32>,
    %swap3A_75 = vector.shape_cast %swap3A_74 : vector<1x16xi32> to vector<16xi32>
    %swap3A_76 = vector.shape_cast %select_n3A_67 : vector<16xi32> to vector<1x16xi32>
    tpu.vector_store %arg6[%swap3A_72, %swap3A_73], %swap3A_76 {strides = array<i32>} : memref<8x64xi32, #tpu.memory_space<vmem>>, vector<1x16xi32>,
    %scan3A_77 = arith.constant 1 : i32
    %barrier3A = arith.constant 0 : index
    tpu.barrier barrier_id(%barrier3A)
    %dma_start3A = arith.constant 0 : i32
    %dma_start3A_78 = arith.constant 0 : i32
    %dma_start3A_79 = arith.constant 0 : i32
    %dma_start3A_80 = arith.constant 0 : i32
    %dma_start3A_81 = tpu.memref_slice %arg7[%dma_start3A_78, %dma_start3A_79, %dma_start3A_80] : memref<8x64x128xf32, #tpu.memory_space<vmem>> -> memref<1x16x128xf32, #tpu.memory_space<vmem>>
    %dma_start3A_82 = tpu.memref_squeeze %dma_start3A_81 : memref<1x16x128xf32, #tpu.memory_space<vmem>> -> memref<16x128xf32, #tpu.memory_space<vmem>>
    %dma_start3A_83 = arith.constant 0 : i32
    %dma_start3A_84 = tpu.memref_slice %arg6[%dma_start3A, %dma_start3A_83] : memref<8x64xi32, #tpu.memory_space<vmem>> -> memref<1x16xi32, #tpu.memory_space<vmem>>
    %dma_start3A_85 = tpu.memref_squeeze %dma_start3A_84 : memref<1x16xi32, #tpu.memory_space<vmem>> -> memref<16xi32, #tpu.memory_space<vmem>>
    %dma_start3A_86 = arith.constant 0 : i32
    %dma_start3A_87 = arith.constant 0 : i32
    %dma_start3A_88 = tpu.memref_slice %arg8[%dma_start3A_86, %dma_start3A_87] : memref<24x128xf32, #tpu.memory_space<vmem_shared>> -> memref<24x128xf32, #tpu.memory_space<vmem_shared>>
    tpu.enqueue_indirect_dma source(%dma_start3A_88 : memref<24x128xf32, #tpu.memory_space<vmem_shared>>) target(%dma_start3A_82 : memref<16x128xf32, #tpu.memory_space<vmem>>) offsets(%dma_start3A_85 : memref<16xi32, #tpu.memory_space<vmem>>) semaphore(%arg9 : memref<!tpu.dma_semaphore, #tpu.memory_space<semaphore_mem>>)
    %scan3A_89 = arith.constant 0 : i32
    %scan3A_90 = arith.constant 0 : i32
    %scan3A_91 = arith.constant 3 : i32
    %scan3A_92 = arith.addi %scan3A_90, %scan3A_91 : i32
    %scan3A_93 = arith.constant 1 : i32
    scf.for %scan3A_592 = %scan3A_90 to %scan3A_92 step %scan3A_93  : i32 {
      %mul3A_593 = arith.constant 16 : i32
      %mul3A_594 = arith.muli %scan3A_592, %mul3A_593 : i32
      %add3A_595 = arith.constant 16 : i32
      %add3A_596 = arith.addi %add3A_595, %mul3A_594 : i32
      %get3A_597 = arith.index_cast %add3A_596 : i32 to index
      %get3A_598 = tpu.vector_load %arg5[%get3A_597] {strides = array<i32>} : memref<512xi32, #tpu.memory_space<vmem>>, vector<16xi32>,
      %get3A_599 = vector.shape_cast %get3A_598 : vector<16xi32> to vector<16xi32>
      %shift_right_logical3A_600 = arith.constant 7 : i32
      %shift_right_logical3A_601 = vector.broadcast %shift_right_logical3A_600 : i32 to vector<16xi32>
      %shift_right_logical3A_602 = arith.shrui %get3A_599, %shift_right_logical3A_601 : vector<16xi32>
      %convert_element_type3A_603 = arith.sitofp %shift_right_logical3A_602 : vector<16xi32> to vector<16xf32>
      %mul3A_604 = arith.constant 0.00148148148 : f32
      %mul3A_605 = vector.broadcast %mul3A_604 : f32 to vector<16xf32>
      %mul3A_606 = arith.mulf %convert_element_type3A_603, %mul3A_605 : vector<16xf32>
      %convert_element_type3A_607 = arith.fptosi %mul3A_606 : vector<16xf32> to vector<16xi32>
      %mul3A_608 = arith.constant 86400 : i32
      %mul3A_609 = vector.broadcast %mul3A_608 : i32 to vector<16xi32>
      %mul3A_610 = arith.muli %convert_element_type3A_607, %mul3A_609 : vector<16xi32>
      %sub3A_611 = arith.subi %get3A_599, %mul3A_610 : vector<16xi32>
      %lt3A_612 = arith.constant 0 : i32
      %lt3A_613 = vector.broadcast %lt3A_612 : i32 to vector<16xi32>
      %lt3A_614 = arith.cmpi slt, %sub3A_611, %lt3A_613 : vector<16xi32>
      %add3A_615 = arith.constant 86400 : i32
      %add3A_616 = vector.broadcast %add3A_615 : i32 to vector<16xi32>
      %add3A_617 = arith.addi %sub3A_611, %add3A_616 : vector<16xi32>
      %select_n3A_618 = arith.select %lt3A_614, %add3A_617, %sub3A_611 : vector<16xi1>, vector<16xi32>
      %ge3A_619 = arith.constant 86400 : i32
      %ge3A_620 = vector.broadcast %ge3A_619 : i32 to vector<16xi32>
      %ge3A_621 = arith.cmpi sge, %select_n3A_618, %ge3A_620 : vector<16xi32>
      %sub3A_622 = arith.constant 86400 : i32
      %sub3A_623 = vector.broadcast %sub3A_622 : i32 to vector<16xi32>
      %sub3A_624 = arith.subi %select_n3A_618, %sub3A_623 : vector<16xi32>
      %select_n3A_625 = arith.select %ge3A_621, %sub3A_624, %select_n3A_618 : vector<16xi1>, vector<16xi32>
      %convert_element_type3A_626 = arith.sitofp %select_n3A_625 : vector<16xi32> to vector<16xf32>
      %mul3A_627 = arith.constant 2.77777785E-4 : f32
      %mul3A_628 = vector.broadcast %mul3A_627 : f32 to vector<16xf32>
      %mul3A_629 = arith.mulf %convert_element_type3A_626, %mul3A_628 : vector<16xf32>
      %convert_element_type3A_630 = arith.fptosi %mul3A_629 : vector<16xf32> to vector<16xi32>
      %mul3A_631 = arith.constant 3600 : i32
      %mul3A_632 = vector.broadcast %mul3A_631 : i32 to vector<16xi32>
      %mul3A_633 = arith.muli %convert_element_type3A_630, %mul3A_632 : vector<16xi32>
      %sub3A_634 = arith.subi %select_n3A_625, %mul3A_633 : vector<16xi32>
      %lt3A_635 = arith.constant 0 : i32
      %lt3A_636 = vector.broadcast %lt3A_635 : i32 to vector<16xi32>
      %lt3A_637 = arith.cmpi slt, %sub3A_634, %lt3A_636 : vector<16xi32>
      %sub3A_638 = arith.constant 1 : i32
      %sub3A_639 = vector.broadcast %sub3A_638 : i32 to vector<16xi32>
      %sub3A_640 = arith.subi %convert_element_type3A_630, %sub3A_639 : vector<16xi32>
      %select_n3A_641 = arith.select %lt3A_637, %sub3A_640, %convert_element_type3A_630 : vector<16xi1>, vector<16xi32>
      %lt3A_642 = arith.constant 0 : i32
      %lt3A_643 = vector.broadcast %lt3A_642 : i32 to vector<16xi32>
      %lt3A_644 = arith.cmpi slt, %sub3A_634, %lt3A_643 : vector<16xi32>
      %add3A_645 = arith.constant 3600 : i32
      %add3A_646 = vector.broadcast %add3A_645 : i32 to vector<16xi32>
      %add3A_647 = arith.addi %sub3A_634, %add3A_646 : vector<16xi32>
      %select_n3A_648 = arith.select %lt3A_644, %add3A_647, %sub3A_634 : vector<16xi1>, vector<16xi32>
      %ge3A_649 = arith.constant 3600 : i32
      %ge3A_650 = vector.broadcast %ge3A_649 : i32 to vector<16xi32>
      %ge3A_651 = arith.cmpi sge, %select_n3A_648, %ge3A_650 : vector<16xi32>
      %add3A_652 = arith.constant 1 : i32
      %add3A_653 = vector.broadcast %add3A_652 : i32 to vector<16xi32>
      %add3A_654 = arith.addi %select_n3A_641, %add3A_653 : vector<16xi32>
      %select_n3A_655 = arith.select %ge3A_651, %add3A_654, %select_n3A_641 : vector<16xi1>, vector<16xi32>
      %mul3A_656 = arith.constant 16 : i32
      %mul3A_657 = arith.muli %scan3A_592, %mul3A_656 : i32
      %add3A_658 = arith.constant 16 : i32
      %add3A_659 = arith.addi %add3A_658, %mul3A_657 : i32
      %swap3A_660 = arith.constant 0 : i32
      %swap3A_661 = arith.index_cast %swap3A_660 : i32 to index
      %swap3A_662 = arith.index_cast %add3A_659 : i32 to index
      %swap3A_663 = tpu.vector_load %arg6[%swap3A_661, %swap3A_662] {strides = array<i32>} : memref<8x64xi32, #tpu.memory_space<vmem>>, vector<1x16xi32>,
      %swap3A_664 = vector.shape_cast %swap3A_663 : vector<1x16xi32> to vector<16xi32>
      %swap3A_665 = vector.shape_cast %select_n3A_655 : vector<16xi32> to vector<1x16xi32>
      tpu.vector_store %arg6[%swap3A_661, %swap3A_662], %swap3A_665 {strides = array<i32>} : memref<8x64xi32, #tpu.memory_space<vmem>>, vector<1x16xi32>,
    }
    %scan3A_94 = arith.constant 3 : i32
    %dma_start3A_95 = arith.constant 0 : i32
    %dma_start3A_96 = arith.constant 0 : i32
    %dma_start3A_97 = arith.constant 16 : i32
    %dma_start3A_98 = arith.constant 0 : i32
    %dma_start3A_99 = tpu.memref_slice %arg7[%dma_start3A_96, %dma_start3A_97, %dma_start3A_98] : memref<8x64x128xf32, #tpu.memory_space<vmem>> -> memref<1x48x128xf32, #tpu.memory_space<vmem>>
    %dma_start3A_100 = tpu.memref_squeeze %dma_start3A_99 : memref<1x48x128xf32, #tpu.memory_space<vmem>> -> memref<48x128xf32, #tpu.memory_space<vmem>>
    %dma_start3A_101 = arith.constant 16 : i32
    %dma_start3A_102 = tpu.memref_slice %arg6[%dma_start3A_95, %dma_start3A_101] : memref<8x64xi32, #tpu.memory_space<vmem>> -> memref<1x48xi32, #tpu.memory_space<vmem>>
    %dma_start3A_103 = tpu.memref_squeeze %dma_start3A_102 : memref<1x48xi32, #tpu.memory_space<vmem>> -> memref<48xi32, #tpu.memory_space<vmem>>
    %dma_start3A_104 = arith.constant 0 : i32
    %dma_start3A_105 = arith.constant 0 : i32
    %dma_start3A_106 = tpu.memref_slice %arg8[%dma_start3A_104, %dma_start3A_105] : memref<24x128xf32, #tpu.memory_space<vmem_shared>> -> memref<24x128xf32, #tpu.memory_space<vmem_shared>>
    tpu.enqueue_indirect_dma source(%dma_start3A_106 : memref<24x128xf32, #tpu.memory_space<vmem_shared>>) target(%dma_start3A_100 : memref<48x128xf32, #tpu.memory_space<vmem>>) offsets(%dma_start3A_103 : memref<48xi32, #tpu.memory_space<vmem>>) semaphore(%arg10 : memref<!tpu.dma_semaphore, #tpu.memory_space<semaphore_mem>>)
    %scan3A_107 = arith.constant 0 : i32
    %scan3A_108 = arith.constant 0 : i32
    %scan3A_109 = arith.constant 4 : i32
    %scan3A_110 = arith.addi %scan3A_108, %scan3A_109 : i32
    %scan3A_111 = arith.constant 1 : i32
    scf.for %scan3A_592 = %scan3A_108 to %scan3A_110 step %scan3A_111  : i32 {
      %mul3A_593 = arith.constant 16 : i32
      %mul3A_594 = arith.muli %scan3A_592, %mul3A_593 : i32
      %add3A_595 = arith.constant 64 : i32
      %add3A_596 = arith.addi %add3A_595, %mul3A_594 : i32
      %get3A_597 = arith.index_cast %add3A_596 : i32 to index
      %get3A_598 = tpu.vector_load %arg5[%get3A_597] {strides = array<i32>} : memref<512xi32, #tpu.memory_space<vmem>>, vector<16xi32>,
      %get3A_599 = vector.shape_cast %get3A_598 : vector<16xi32> to vector<16xi32>
      %shift_right_logical3A_600 = arith.constant 7 : i32
      %shift_right_logical3A_601 = vector.broadcast %shift_right_logical3A_600 : i32 to vector<16xi32>
      %shift_right_logical3A_602 = arith.shrui %get3A_599, %shift_right_logical3A_601 : vector<16xi32>
      %convert_element_type3A_603 = arith.sitofp %shift_right_logical3A_602 : vector<16xi32> to vector<16xf32>
      %mul3A_604 = arith.constant 0.00148148148 : f32
      %mul3A_605 = vector.broadcast %mul3A_604 : f32 to vector<16xf32>
      %mul3A_606 = arith.mulf %convert_element_type3A_603, %mul3A_605 : vector<16xf32>
      %convert_element_type3A_607 = arith.fptosi %mul3A_606 : vector<16xf32> to vector<16xi32>
      %mul3A_608 = arith.constant 86400 : i32
      %mul3A_609 = vector.broadcast %mul3A_608 : i32 to vector<16xi32>
      %mul3A_610 = arith.muli %convert_element_type3A_607, %mul3A_609 : vector<16xi32>
      %sub3A_611 = arith.subi %get3A_599, %mul3A_610 : vector<16xi32>
      %lt3A_612 = arith.constant 0 : i32
      %lt3A_613 = vector.broadcast %lt3A_612 : i32 to vector<16xi32>
      %lt3A_614 = arith.cmpi slt, %sub3A_611, %lt3A_613 : vector<16xi32>
      %add3A_615 = arith.constant 86400 : i32
      %add3A_616 = vector.broadcast %add3A_615 : i32 to vector<16xi32>
      %add3A_617 = arith.addi %sub3A_611, %add3A_616 : vector<16xi32>
      %select_n3A_618 = arith.select %lt3A_614, %add3A_617, %sub3A_611 : vector<16xi1>, vector<16xi32>
      %ge3A_619 = arith.constant 86400 : i32
      %ge3A_620 = vector.broadcast %ge3A_619 : i32 to vector<16xi32>
      %ge3A_621 = arith.cmpi sge, %select_n3A_618, %ge3A_620 : vector<16xi32>
      %sub3A_622 = arith.constant 86400 : i32
      %sub3A_623 = vector.broadcast %sub3A_622 : i32 to vector<16xi32>
      %sub3A_624 = arith.subi %select_n3A_618, %sub3A_623 : vector<16xi32>
      %select_n3A_625 = arith.select %ge3A_621, %sub3A_624, %select_n3A_618 : vector<16xi1>, vector<16xi32>
      %convert_element_type3A_626 = arith.sitofp %select_n3A_625 : vector<16xi32> to vector<16xf32>
      %mul3A_627 = arith.constant 2.77777785E-4 : f32
      %mul3A_628 = vector.broadcast %mul3A_627 : f32 to vector<16xf32>
      %mul3A_629 = arith.mulf %convert_element_type3A_626, %mul3A_628 : vector<16xf32>
      %convert_element_type3A_630 = arith.fptosi %mul3A_629 : vector<16xf32> to vector<16xi32>
      %mul3A_631 = arith.constant 3600 : i32
      %mul3A_632 = vector.broadcast %mul3A_631 : i32 to vector<16xi32>
      %mul3A_633 = arith.muli %convert_element_type3A_630, %mul3A_632 : vector<16xi32>
      %sub3A_634 = arith.subi %select_n3A_625, %mul3A_633 : vector<16xi32>
      %lt3A_635 = arith.constant 0 : i32
      %lt3A_636 = vector.broadcast %lt3A_635 : i32 to vector<16xi32>
      %lt3A_637 = arith.cmpi slt, %sub3A_634, %lt3A_636 : vector<16xi32>
      %sub3A_638 = arith.constant 1 : i32
      %sub3A_639 = vector.broadcast %sub3A_638 : i32 to vector<16xi32>
      %sub3A_640 = arith.subi %convert_element_type3A_630, %sub3A_639 : vector<16xi32>
      %select_n3A_641 = arith.select %lt3A_637, %sub3A_640, %convert_element_type3A_630 : vector<16xi1>, vector<16xi32>
      %lt3A_642 = arith.constant 0 : i32
      %lt3A_643 = vector.broadcast %lt3A_642 : i32 to vector<16xi32>
      %lt3A_644 = arith.cmpi slt, %sub3A_634, %lt3A_643 : vector<16xi32>
      %add3A_645 = arith.constant 3600 : i32
      %add3A_646 = vector.broadcast %add3A_645 : i32 to vector<16xi32>
      %add3A_647 = arith.addi %sub3A_634, %add3A_646 : vector<16xi32>
      %select_n3A_648 = arith.select %lt3A_644, %add3A_647, %sub3A_634 : vector<16xi1>, vector<16xi32>
      %ge3A_649 = arith.constant 3600 : i32
      %ge3A_650 = vector.broadcast %ge3A_649 : i32 to vector<16xi32>
      %ge3A_651 = arith.cmpi sge, %select_n3A_648, %ge3A_650 : vector<16xi32>
      %add3A_652 = arith.constant 1 : i32
      %add3A_653 = vector.broadcast %add3A_652 : i32 to vector<16xi32>
      %add3A_654 = arith.addi %select_n3A_641, %add3A_653 : vector<16xi32>
      %select_n3A_655 = arith.select %ge3A_651, %add3A_654, %select_n3A_641 : vector<16xi1>, vector<16xi32>
      %mul3A_656 = arith.constant 16 : i32
      %mul3A_657 = arith.muli %scan3A_592, %mul3A_656 : i32
      %add3A_658 = arith.constant 0 : i32
      %add3A_659 = arith.addi %add3A_658, %mul3A_657 : i32
      %swap3A_660 = arith.constant 1 : i32
      %swap3A_661 = arith.index_cast %swap3A_660 : i32 to index
      %swap3A_662 = arith.index_cast %add3A_659 : i32 to index
      %swap3A_663 = tpu.vector_load %arg6[%swap3A_661, %swap3A_662] {strides = array<i32>} : memref<8x64xi32, #tpu.memory_space<vmem>>, vector<1x16xi32>,
      %swap3A_664 = vector.shape_cast %swap3A_663 : vector<1x16xi32> to vector<16xi32>
      %swap3A_665 = vector.shape_cast %select_n3A_655 : vector<16xi32> to vector<1x16xi32>
      tpu.vector_store %arg6[%swap3A_661, %swap3A_662], %swap3A_665 {strides = array<i32>} : memref<8x64xi32, #tpu.memory_space<vmem>>, vector<1x16xi32>,
    }
    %scan3A_112 = arith.constant 4 : i32
    %dma_start3A_113 = arith.constant 1 : i32
    %dma_start3A_114 = arith.constant 1 : i32
    %dma_start3A_115 = arith.constant 0 : i32
    %dma_start3A_116 = arith.constant 0 : i32
    %dma_start3A_117 = tpu.memref_slice %arg7[%dma_start3A_114, %dma_start3A_115, %dma_start3A_116] : memref<8x64x128xf32, #tpu.memory_space<vmem>> -> memref<1x64x128xf32, #tpu.memory_space<vmem>>
    %dma_start3A_118 = tpu.memref_squeeze %dma_start3A_117 : memref<1x64x128xf32, #tpu.memory_space<vmem>> -> memref<64x128xf32, #tpu.memory_space<vmem>>
    %dma_start3A_119 = arith.constant 0 : i32
    %dma_start3A_120 = tpu.memref_slice %arg6[%dma_start3A_113, %dma_start3A_119] : memref<8x64xi32, #tpu.memory_space<vmem>> -> memref<1x64xi32, #tpu.memory_space<vmem>>
    %dma_start3A_121 = tpu.memref_squeeze %dma_start3A_120 : memref<1x64xi32, #tpu.memory_space<vmem>> -> memref<64xi32, #tpu.memory_space<vmem>>
    %dma_start3A_122 = arith.constant 0 : i32
    %dma_start3A_123 = arith.constant 0 : i32
    %dma_start3A_124 = tpu.memref_slice %arg8[%dma_start3A_122, %dma_start3A_123] : memref<24x128xf32, #tpu.memory_space<vmem_shared>> -> memref<24x128xf32, #tpu.memory_space<vmem_shared>>
    tpu.enqueue_indirect_dma source(%dma_start3A_124 : memref<24x128xf32, #tpu.memory_space<vmem_shared>>) target(%dma_start3A_118 : memref<64x128xf32, #tpu.memory_space<vmem>>) offsets(%dma_start3A_121 : memref<64xi32, #tpu.memory_space<vmem>>) semaphore(%arg11 : memref<!tpu.dma_semaphore, #tpu.memory_space<semaphore_mem>>)
    %scan3A_125 = arith.constant 0 : i32
    %scan3A_126 = arith.constant 0 : i32
    %scan3A_127 = arith.constant 4 : i32
    %scan3A_128 = arith.addi %scan3A_126, %scan3A_127 : i32
    %scan3A_129 = arith.constant 1 : i32
    scf.for %scan3A_592 = %scan3A_126 to %scan3A_128 step %scan3A_129  : i32 {
      %mul3A_593 = arith.constant 16 : i32
      %mul3A_594 = arith.muli %scan3A_592, %mul3A_593 : i32
      %add3A_595 = arith.constant 128 : i32
      %add3A_596 = arith.addi %add3A_595, %mul3A_594 : i32
      %get3A_597 = arith.index_cast %add3A_596 : i32 to index
      %get3A_598 = tpu.vector_load %arg5[%get3A_597] {strides = array<i32>} : memref<512xi32, #tpu.memory_space<vmem>>, vector<16xi32>,
      %get3A_599 = vector.shape_cast %get3A_598 : vector<16xi32> to vector<16xi32>
      %shift_right_logical3A_600 = arith.constant 7 : i32
      %shift_right_logical3A_601 = vector.broadcast %shift_right_logical3A_600 : i32 to vector<16xi32>
      %shift_right_logical3A_602 = arith.shrui %get3A_599, %shift_right_logical3A_601 : vector<16xi32>
      %convert_element_type3A_603 = arith.sitofp %shift_right_logical3A_602 : vector<16xi32> to vector<16xf32>
      %mul3A_604 = arith.constant 0.00148148148 : f32
      %mul3A_605 = vector.broadcast %mul3A_604 : f32 to vector<16xf32>
      %mul3A_606 = arith.mulf %convert_element_type3A_603, %mul3A_605 : vector<16xf32>
      %convert_element_type3A_607 = arith.fptosi %mul3A_606 : vector<16xf32> to vector<16xi32>
      %mul3A_608 = arith.constant 86400 : i32
      %mul3A_609 = vector.broadcast %mul3A_608 : i32 to vector<16xi32>
      %mul3A_610 = arith.muli %convert_element_type3A_607, %mul3A_609 : vector<16xi32>
      %sub3A_611 = arith.subi %get3A_599, %mul3A_610 : vector<16xi32>
      %lt3A_612 = arith.constant 0 : i32
      %lt3A_613 = vector.broadcast %lt3A_612 : i32 to vector<16xi32>
      %lt3A_614 = arith.cmpi slt, %sub3A_611, %lt3A_613 : vector<16xi32>
      %add3A_615 = arith.constant 86400 : i32
      %add3A_616 = vector.broadcast %add3A_615 : i32 to vector<16xi32>
      %add3A_617 = arith.addi %sub3A_611, %add3A_616 : vector<16xi32>
      %select_n3A_618 = arith.select %lt3A_614, %add3A_617, %sub3A_611 : vector<16xi1>, vector<16xi32>
      %ge3A_619 = arith.constant 86400 : i32
      %ge3A_620 = vector.broadcast %ge3A_619 : i32 to vector<16xi32>
      %ge3A_621 = arith.cmpi sge, %select_n3A_618, %ge3A_620 : vector<16xi32>
      %sub3A_622 = arith.constant 86400 : i32
      %sub3A_623 = vector.broadcast %sub3A_622 : i32 to vector<16xi32>
      %sub3A_624 = arith.subi %select_n3A_618, %sub3A_623 : vector<16xi32>
      %select_n3A_625 = arith.select %ge3A_621, %sub3A_624, %select_n3A_618 : vector<16xi1>, vector<16xi32>
      %convert_element_type3A_626 = arith.sitofp %select_n3A_625 : vector<16xi32> to vector<16xf32>
      %mul3A_627 = arith.constant 2.77777785E-4 : f32
      %mul3A_628 = vector.broadcast %mul3A_627 : f32 to vector<16xf32>
      %mul3A_629 = arith.mulf %convert_element_type3A_626, %mul3A_628 : vector<16xf32>
      %convert_element_type3A_630 = arith.fptosi %mul3A_629 : vector<16xf32> to vector<16xi32>
      %mul3A_631 = arith.constant 3600 : i32
      %mul3A_632 = vector.broadcast %mul3A_631 : i32 to vector<16xi32>
      %mul3A_633 = arith.muli %convert_element_type3A_630, %mul3A_632 : vector<16xi32>
      %sub3A_634 = arith.subi %select_n3A_625, %mul3A_633 : vector<16xi32>
      %lt3A_635 = arith.constant 0 : i32
      %lt3A_636 = vector.broadcast %lt3A_635 : i32 to vector<16xi32>
      %lt3A_637 = arith.cmpi slt, %sub3A_634, %lt3A_636 : vector<16xi32>
      %sub3A_638 = arith.constant 1 : i32
      %sub3A_639 = vector.broadcast %sub3A_638 : i32 to vector<16xi32>
      %sub3A_640 = arith.subi %convert_element_type3A_630, %sub3A_639 : vector<16xi32>
      %select_n3A_641 = arith.select %lt3A_637, %sub3A_640, %convert_element_type3A_630 : vector<16xi1>, vector<16xi32>
      %lt3A_642 = arith.constant 0 : i32
      %lt3A_643 = vector.broadcast %lt3A_642 : i32 to vector<16xi32>
      %lt3A_644 = arith.cmpi slt, %sub3A_634, %lt3A_643 : vector<16xi32>
      %add3A_645 = arith.constant 3600 : i32
      %add3A_646 = vector.broadcast %add3A_645 : i32 to vector<16xi32>
      %add3A_647 = arith.addi %sub3A_634, %add3A_646 : vector<16xi32>
      %select_n3A_648 = arith.select %lt3A_644, %add3A_647, %sub3A_634 : vector<16xi1>, vector<16xi32>
      %ge3A_649 = arith.constant 3600 : i32
      %ge3A_650 = vector.broadcast %ge3A_649 : i32 to vector<16xi32>
      %ge3A_651 = arith.cmpi sge, %select_n3A_648, %ge3A_650 : vector<16xi32>
      %add3A_652 = arith.constant 1 : i32
      %add3A_653 = vector.broadcast %add3A_652 : i32 to vector<16xi32>
      %add3A_654 = arith.addi %select_n3A_641, %add3A_653 : vector<16xi32>
      %select_n3A_655 = arith.select %ge3A_651, %add3A_654, %select_n3A_641 : vector<16xi1>, vector<16xi32>
      %mul3A_656 = arith.constant 16 : i32
      %mul3A_657 = arith.muli %scan3A_592, %mul3A_656 : i32
      %add3A_658 = arith.constant 0 : i32
      %add3A_659 = arith.addi %add3A_658, %mul3A_657 : i32
      %swap3A_660 = arith.constant 2 : i32
      %swap3A_661 = arith.index_cast %swap3A_660 : i32 to index
      %swap3A_662 = arith.index_cast %add3A_659 : i32 to index
      %swap3A_663 = tpu.vector_load %arg6[%swap3A_661, %swap3A_662] {strides = array<i32>} : memref<8x64xi32, #tpu.memory_space<vmem>>, vector<1x16xi32>,
      %swap3A_664 = vector.shape_cast %swap3A_663 : vector<1x16xi32> to vector<16xi32>
      %swap3A_665 = vector.shape_cast %select_n3A_655 : vector<16xi32> to vector<1x16xi32>
      tpu.vector_store %arg6[%swap3A_661, %swap3A_662], %swap3A_665 {strides = array<i32>} : memref<8x64xi32, #tpu.memory_space<vmem>>, vector<1x16xi32>,
    }
    %scan3A_130 = arith.constant 4 : i32
    %dma_start3A_131 = arith.constant 2 : i32
    %dma_start3A_132 = arith.constant 2 : i32
    %dma_start3A_133 = arith.constant 0 : i32
    %dma_start3A_134 = arith.constant 0 : i32
    %dma_start3A_135 = tpu.memref_slice %arg7[%dma_start3A_132, %dma_start3A_133, %dma_start3A_134] : memref<8x64x128xf32, #tpu.memory_space<vmem>> -> memref<1x64x128xf32, #tpu.memory_space<vmem>>
    %dma_start3A_136 = tpu.memref_squeeze %dma_start3A_135 : memref<1x64x128xf32, #tpu.memory_space<vmem>> -> memref<64x128xf32, #tpu.memory_space<vmem>>
    %dma_start3A_137 = arith.constant 0 : i32
    %dma_start3A_138 = tpu.memref_slice %arg6[%dma_start3A_131, %dma_start3A_137] : memref<8x64xi32, #tpu.memory_space<vmem>> -> memref<1x64xi32, #tpu.memory_space<vmem>>
    %dma_start3A_139 = tpu.memref_squeeze %dma_start3A_138 : memref<1x64xi32, #tpu.memory_space<vmem>> -> memref<64xi32, #tpu.memory_space<vmem>>
    %dma_start3A_140 = arith.constant 0 : i32
    %dma_start3A_141 = arith.constant 0 : i32
    %dma_start3A_142 = tpu.memref_slice %arg8[%dma_start3A_140, %dma_start3A_141] : memref<24x128xf32, #tpu.memory_space<vmem_shared>> -> memref<24x128xf32, #tpu.memory_space<vmem_shared>>
    tpu.enqueue_indirect_dma source(%dma_start3A_142 : memref<24x128xf32, #tpu.memory_space<vmem_shared>>) target(%dma_start3A_136 : memref<64x128xf32, #tpu.memory_space<vmem>>) offsets(%dma_start3A_139 : memref<64xi32, #tpu.memory_space<vmem>>) semaphore(%arg12 : memref<!tpu.dma_semaphore, #tpu.memory_space<semaphore_mem>>)
    %scan3A_143 = arith.constant 0 : i32
    %scan3A_144 = arith.constant 0 : i32
    %scan3A_145 = arith.constant 4 : i32
    %scan3A_146 = arith.addi %scan3A_144, %scan3A_145 : i32
    %scan3A_147 = arith.constant 1 : i32
    scf.for %scan3A_592 = %scan3A_144 to %scan3A_146 step %scan3A_147  : i32 {
      %mul3A_593 = arith.constant 16 : i32
      %mul3A_594 = arith.muli %scan3A_592, %mul3A_593 : i32
      %add3A_595 = arith.constant 192 : i32
      %add3A_596 = arith.addi %add3A_595, %mul3A_594 : i32
      %get3A_597 = arith.index_cast %add3A_596 : i32 to index
      %get3A_598 = tpu.vector_load %arg5[%get3A_597] {strides = array<i32>} : memref<512xi32, #tpu.memory_space<vmem>>, vector<16xi32>,
      %get3A_599 = vector.shape_cast %get3A_598 : vector<16xi32> to vector<16xi32>
      %shift_right_logical3A_600 = arith.constant 7 : i32
      %shift_right_logical3A_601 = vector.broadcast %shift_right_logical3A_600 : i32 to vector<16xi32>
      %shift_right_logical3A_602 = arith.shrui %get3A_599, %shift_right_logical3A_601 : vector<16xi32>
      %convert_element_type3A_603 = arith.sitofp %shift_right_logical3A_602 : vector<16xi32> to vector<16xf32>
      %mul3A_604 = arith.constant 0.00148148148 : f32
      %mul3A_605 = vector.broadcast %mul3A_604 : f32 to vector<16xf32>
      %mul3A_606 = arith.mulf %convert_element_type3A_603, %mul3A_605 : vector<16xf32>
      %convert_element_type3A_607 = arith.fptosi %mul3A_606 : vector<16xf32> to vector<16xi32>
      %mul3A_608 = arith.constant 86400 : i32
      %mul3A_609 = vector.broadcast %mul3A_608 : i32 to vector<16xi32>
      %mul3A_610 = arith.muli %convert_element_type3A_607, %mul3A_609 : vector<16xi32>
      %sub3A_611 = arith.subi %get3A_599, %mul3A_610 : vector<16xi32>
      %lt3A_612 = arith.constant 0 : i32
      %lt3A_613 = vector.broadcast %lt3A_612 : i32 to vector<16xi32>
      %lt3A_614 = arith.cmpi slt, %sub3A_611, %lt3A_613 : vector<16xi32>
      %add3A_615 = arith.constant 86400 : i32
      %add3A_616 = vector.broadcast %add3A_615 : i32 to vector<16xi32>
      %add3A_617 = arith.addi %sub3A_611, %add3A_616 : vector<16xi32>
      %select_n3A_618 = arith.select %lt3A_614, %add3A_617, %sub3A_611 : vector<16xi1>, vector<16xi32>
      %ge3A_619 = arith.constant 86400 : i32
      %ge3A_620 = vector.broadcast %ge3A_619 : i32 to vector<16xi32>
      %ge3A_621 = arith.cmpi sge, %select_n3A_618, %ge3A_620 : vector<16xi32>
      %sub3A_622 = arith.constant 86400 : i32
      %sub3A_623 = vector.broadcast %sub3A_622 : i32 to vector<16xi32>
      %sub3A_624 = arith.subi %select_n3A_618, %sub3A_623 : vector<16xi32>
      %select_n3A_625 = arith.select %ge3A_621, %sub3A_624, %select_n3A_618 : vector<16xi1>, vector<16xi32>
      %convert_element_type3A_626 = arith.sitofp %select_n3A_625 : vector<16xi32> to vector<16xf32>
      %mul3A_627 = arith.constant 2.77777785E-4 : f32
      %mul3A_628 = vector.broadcast %mul3A_627 : f32 to vector<16xf32>
      %mul3A_629 = arith.mulf %convert_element_type3A_626, %mul3A_628 : vector<16xf32>
      %convert_element_type3A_630 = arith.fptosi %mul3A_629 : vector<16xf32> to vector<16xi32>
      %mul3A_631 = arith.constant 3600 : i32
      %mul3A_632 = vector.broadcast %mul3A_631 : i32 to vector<16xi32>
      %mul3A_633 = arith.muli %convert_element_type3A_630, %mul3A_632 : vector<16xi32>
      %sub3A_634 = arith.subi %select_n3A_625, %mul3A_633 : vector<16xi32>
      %lt3A_635 = arith.constant 0 : i32
      %lt3A_636 = vector.broadcast %lt3A_635 : i32 to vector<16xi32>
      %lt3A_637 = arith.cmpi slt, %sub3A_634, %lt3A_636 : vector<16xi32>
      %sub3A_638 = arith.constant 1 : i32
      %sub3A_639 = vector.broadcast %sub3A_638 : i32 to vector<16xi32>
      %sub3A_640 = arith.subi %convert_element_type3A_630, %sub3A_639 : vector<16xi32>
      %select_n3A_641 = arith.select %lt3A_637, %sub3A_640, %convert_element_type3A_630 : vector<16xi1>, vector<16xi32>
      %lt3A_642 = arith.constant 0 : i32
      %lt3A_643 = vector.broadcast %lt3A_642 : i32 to vector<16xi32>
      %lt3A_644 = arith.cmpi slt, %sub3A_634, %lt3A_643 : vector<16xi32>
      %add3A_645 = arith.constant 3600 : i32
      %add3A_646 = vector.broadcast %add3A_645 : i32 to vector<16xi32>
      %add3A_647 = arith.addi %sub3A_634, %add3A_646 : vector<16xi32>
      %select_n3A_648 = arith.select %lt3A_644, %add3A_647, %sub3A_634 : vector<16xi1>, vector<16xi32>
      %ge3A_649 = arith.constant 3600 : i32
      %ge3A_650 = vector.broadcast %ge3A_649 : i32 to vector<16xi32>
      %ge3A_651 = arith.cmpi sge, %select_n3A_648, %ge3A_650 : vector<16xi32>
      %add3A_652 = arith.constant 1 : i32
      %add3A_653 = vector.broadcast %add3A_652 : i32 to vector<16xi32>
      %add3A_654 = arith.addi %select_n3A_641, %add3A_653 : vector<16xi32>
      %select_n3A_655 = arith.select %ge3A_651, %add3A_654, %select_n3A_641 : vector<16xi1>, vector<16xi32>
      %mul3A_656 = arith.constant 16 : i32
      %mul3A_657 = arith.muli %scan3A_592, %mul3A_656 : i32
      %add3A_658 = arith.constant 0 : i32
      %add3A_659 = arith.addi %add3A_658, %mul3A_657 : i32
      %swap3A_660 = arith.constant 3 : i32
      %swap3A_661 = arith.index_cast %swap3A_660 : i32 to index
      %swap3A_662 = arith.index_cast %add3A_659 : i32 to index
      %swap3A_663 = tpu.vector_load %arg6[%swap3A_661, %swap3A_662] {strides = array<i32>} : memref<8x64xi32, #tpu.memory_space<vmem>>, vector<1x16xi32>,
      %swap3A_664 = vector.shape_cast %swap3A_663 : vector<1x16xi32> to vector<16xi32>
      %swap3A_665 = vector.shape_cast %select_n3A_655 : vector<16xi32> to vector<1x16xi32>
      tpu.vector_store %arg6[%swap3A_661, %swap3A_662], %swap3A_665 {strides = array<i32>} : memref<8x64xi32, #tpu.memory_space<vmem>>, vector<1x16xi32>,
    }
    %scan3A_148 = arith.constant 4 : i32
    %dma_start3A_149 = arith.constant 3 : i32
    %dma_start3A_150 = arith.constant 3 : i32
    %dma_start3A_151 = arith.constant 0 : i32
    %dma_start3A_152 = arith.constant 0 : i32
    %dma_start3A_153 = tpu.memref_slice %arg7[%dma_start3A_150, %dma_start3A_151, %dma_start3A_152] : memref<8x64x128xf32, #tpu.memory_space<vmem>> -> memref<1x64x128xf32, #tpu.memory_space<vmem>>
    %dma_start3A_154 = tpu.memref_squeeze %dma_start3A_153 : memref<1x64x128xf32, #tpu.memory_space<vmem>> -> memref<64x128xf32, #tpu.memory_space<vmem>>
    %dma_start3A_155 = arith.constant 0 : i32
    %dma_start3A_156 = tpu.memref_slice %arg6[%dma_start3A_149, %dma_start3A_155] : memref<8x64xi32, #tpu.memory_space<vmem>> -> memref<1x64xi32, #tpu.memory_space<vmem>>
    %dma_start3A_157 = tpu.memref_squeeze %dma_start3A_156 : memref<1x64xi32, #tpu.memory_space<vmem>> -> memref<64xi32, #tpu.memory_space<vmem>>
    %dma_start3A_158 = arith.constant 0 : i32
    %dma_start3A_159 = arith.constant 0 : i32
    %dma_start3A_160 = tpu.memref_slice %arg8[%dma_start3A_158, %dma_start3A_159] : memref<24x128xf32, #tpu.memory_space<vmem_shared>> -> memref<24x128xf32, #tpu.memory_space<vmem_shared>>
    tpu.enqueue_indirect_dma source(%dma_start3A_160 : memref<24x128xf32, #tpu.memory_space<vmem_shared>>) target(%dma_start3A_154 : memref<64x128xf32, #tpu.memory_space<vmem>>) offsets(%dma_start3A_157 : memref<64xi32, #tpu.memory_space<vmem>>) semaphore(%arg13 : memref<!tpu.dma_semaphore, #tpu.memory_space<semaphore_mem>>)
    %scan3A_161 = arith.constant 0 : i32
    %scan3A_162 = arith.constant 0 : i32
    %scan3A_163 = arith.constant 4 : i32
    %scan3A_164 = arith.addi %scan3A_162, %scan3A_163 : i32
    %scan3A_165 = arith.constant 1 : i32
    scf.for %scan3A_592 = %scan3A_162 to %scan3A_164 step %scan3A_165  : i32 {
      %mul3A_593 = arith.constant 16 : i32
      %mul3A_594 = arith.muli %scan3A_592, %mul3A_593 : i32
      %add3A_595 = arith.constant 256 : i32
      %add3A_596 = arith.addi %add3A_595, %mul3A_594 : i32
      %get3A_597 = arith.index_cast %add3A_596 : i32 to index
      %get3A_598 = tpu.vector_load %arg5[%get3A_597] {strides = array<i32>} : memref<512xi32, #tpu.memory_space<vmem>>, vector<16xi32>,
      %get3A_599 = vector.shape_cast %get3A_598 : vector<16xi32> to vector<16xi32>
      %shift_right_logical3A_600 = arith.constant 7 : i32
      %shift_right_logical3A_601 = vector.broadcast %shift_right_logical3A_600 : i32 to vector<16xi32>
      %shift_right_logical3A_602 = arith.shrui %get3A_599, %shift_right_logical3A_601 : vector<16xi32>
      %convert_element_type3A_603 = arith.sitofp %shift_right_logical3A_602 : vector<16xi32> to vector<16xf32>
      %mul3A_604 = arith.constant 0.00148148148 : f32
      %mul3A_605 = vector.broadcast %mul3A_604 : f32 to vector<16xf32>
      %mul3A_606 = arith.mulf %convert_element_type3A_603, %mul3A_605 : vector<16xf32>
      %convert_element_type3A_607 = arith.fptosi %mul3A_606 : vector<16xf32> to vector<16xi32>
      %mul3A_608 = arith.constant 86400 : i32
      %mul3A_609 = vector.broadcast %mul3A_608 : i32 to vector<16xi32>
      %mul3A_610 = arith.muli %convert_element_type3A_607, %mul3A_609 : vector<16xi32>
      %sub3A_611 = arith.subi %get3A_599, %mul3A_610 : vector<16xi32>
      %lt3A_612 = arith.constant 0 : i32
      %lt3A_613 = vector.broadcast %lt3A_612 : i32 to vector<16xi32>
      %lt3A_614 = arith.cmpi slt, %sub3A_611, %lt3A_613 : vector<16xi32>
      %add3A_615 = arith.constant 86400 : i32
      %add3A_616 = vector.broadcast %add3A_615 : i32 to vector<16xi32>
      %add3A_617 = arith.addi %sub3A_611, %add3A_616 : vector<16xi32>
      %select_n3A_618 = arith.select %lt3A_614, %add3A_617, %sub3A_611 : vector<16xi1>, vector<16xi32>
      %ge3A_619 = arith.constant 86400 : i32
      %ge3A_620 = vector.broadcast %ge3A_619 : i32 to vector<16xi32>
      %ge3A_621 = arith.cmpi sge, %select_n3A_618, %ge3A_620 : vector<16xi32>
      %sub3A_622 = arith.constant 86400 : i32
      %sub3A_623 = vector.broadcast %sub3A_622 : i32 to vector<16xi32>
      %sub3A_624 = arith.subi %select_n3A_618, %sub3A_623 : vector<16xi32>
      %select_n3A_625 = arith.select %ge3A_621, %sub3A_624, %select_n3A_618 : vector<16xi1>, vector<16xi32>
      %convert_element_type3A_626 = arith.sitofp %select_n3A_625 : vector<16xi32> to vector<16xf32>
      %mul3A_627 = arith.constant 2.77777785E-4 : f32
      %mul3A_628 = vector.broadcast %mul3A_627 : f32 to vector<16xf32>
      %mul3A_629 = arith.mulf %convert_element_type3A_626, %mul3A_628 : vector<16xf32>
      %convert_element_type3A_630 = arith.fptosi %mul3A_629 : vector<16xf32> to vector<16xi32>
      %mul3A_631 = arith.constant 3600 : i32
      %mul3A_632 = vector.broadcast %mul3A_631 : i32 to vector<16xi32>
      %mul3A_633 = arith.muli %convert_element_type3A_630, %mul3A_632 : vector<16xi32>
      %sub3A_634 = arith.subi %select_n3A_625, %mul3A_633 : vector<16xi32>
      %lt3A_635 = arith.constant 0 : i32
      %lt3A_636 = vector.broadcast %lt3A_635 : i32 to vector<16xi32>
      %lt3A_637 = arith.cmpi slt, %sub3A_634, %lt3A_636 : vector<16xi32>
      %sub3A_638 = arith.constant 1 : i32
      %sub3A_639 = vector.broadcast %sub3A_638 : i32 to vector<16xi32>
      %sub3A_640 = arith.subi %convert_element_type3A_630, %sub3A_639 : vector<16xi32>
      %select_n3A_641 = arith.select %lt3A_637, %sub3A_640, %convert_element_type3A_630 : vector<16xi1>, vector<16xi32>
      %lt3A_642 = arith.constant 0 : i32
      %lt3A_643 = vector.broadcast %lt3A_642 : i32 to vector<16xi32>
      %lt3A_644 = arith.cmpi slt, %sub3A_634, %lt3A_643 : vector<16xi32>
      %add3A_645 = arith.constant 3600 : i32
      %add3A_646 = vector.broadcast %add3A_645 : i32 to vector<16xi32>
      %add3A_647 = arith.addi %sub3A_634, %add3A_646 : vector<16xi32>
      %select_n3A_648 = arith.select %lt3A_644, %add3A_647, %sub3A_634 : vector<16xi1>, vector<16xi32>
      %ge3A_649 = arith.constant 3600 : i32
      %ge3A_650 = vector.broadcast %ge3A_649 : i32 to vector<16xi32>
      %ge3A_651 = arith.cmpi sge, %select_n3A_648, %ge3A_650 : vector<16xi32>
      %add3A_652 = arith.constant 1 : i32
      %add3A_653 = vector.broadcast %add3A_652 : i32 to vector<16xi32>
      %add3A_654 = arith.addi %select_n3A_641, %add3A_653 : vector<16xi32>
      %select_n3A_655 = arith.select %ge3A_651, %add3A_654, %select_n3A_641 : vector<16xi1>, vector<16xi32>
      %mul3A_656 = arith.constant 16 : i32
      %mul3A_657 = arith.muli %scan3A_592, %mul3A_656 : i32
      %add3A_658 = arith.constant 0 : i32
      %add3A_659 = arith.addi %add3A_658, %mul3A_657 : i32
      %swap3A_660 = arith.constant 4 : i32
      %swap3A_661 = arith.index_cast %swap3A_660 : i32 to index
      %swap3A_662 = arith.index_cast %add3A_659 : i32 to index
      %swap3A_663 = tpu.vector_load %arg6[%swap3A_661, %swap3A_662] {strides = array<i32>} : memref<8x64xi32, #tpu.memory_space<vmem>>, vector<1x16xi32>,
      %swap3A_664 = vector.shape_cast %swap3A_663 : vector<1x16xi32> to vector<16xi32>
      %swap3A_665 = vector.shape_cast %select_n3A_655 : vector<16xi32> to vector<1x16xi32>
      tpu.vector_store %arg6[%swap3A_661, %swap3A_662], %swap3A_665 {strides = array<i32>} : memref<8x64xi32, #tpu.memory_space<vmem>>, vector<1x16xi32>,
    }
    %scan3A_166 = arith.constant 4 : i32
    %dma_start3A_167 = arith.constant 4 : i32
    %dma_start3A_168 = arith.constant 4 : i32
    %dma_start3A_169 = arith.constant 0 : i32
    %dma_start3A_170 = arith.constant 0 : i32
    %dma_start3A_171 = tpu.memref_slice %arg7[%dma_start3A_168, %dma_start3A_169, %dma_start3A_170] : memref<8x64x128xf32, #tpu.memory_space<vmem>> -> memref<1x64x128xf32, #tpu.memory_space<vmem>>
    %dma_start3A_172 = tpu.memref_squeeze %dma_start3A_171 : memref<1x64x128xf32, #tpu.memory_space<vmem>> -> memref<64x128xf32, #tpu.memory_space<vmem>>
    %dma_start3A_173 = arith.constant 0 : i32
    %dma_start3A_174 = tpu.memref_slice %arg6[%dma_start3A_167, %dma_start3A_173] : memref<8x64xi32, #tpu.memory_space<vmem>> -> memref<1x64xi32, #tpu.memory_space<vmem>>
    %dma_start3A_175 = tpu.memref_squeeze %dma_start3A_174 : memref<1x64xi32, #tpu.memory_space<vmem>> -> memref<64xi32, #tpu.memory_space<vmem>>
    %dma_start3A_176 = arith.constant 0 : i32
    %dma_start3A_177 = arith.constant 0 : i32
    %dma_start3A_178 = tpu.memref_slice %arg8[%dma_start3A_176, %dma_start3A_177] : memref<24x128xf32, #tpu.memory_space<vmem_shared>> -> memref<24x128xf32, #tpu.memory_space<vmem_shared>>
    tpu.enqueue_indirect_dma source(%dma_start3A_178 : memref<24x128xf32, #tpu.memory_space<vmem_shared>>) target(%dma_start3A_172 : memref<64x128xf32, #tpu.memory_space<vmem>>) offsets(%dma_start3A_175 : memref<64xi32, #tpu.memory_space<vmem>>) semaphore(%arg14 : memref<!tpu.dma_semaphore, #tpu.memory_space<semaphore_mem>>)
    %scan3A_179 = arith.constant 0 : i32
    %scan3A_180 = arith.constant 0 : i32
    %scan3A_181 = arith.constant 4 : i32
    %scan3A_182 = arith.addi %scan3A_180, %scan3A_181 : i32
    %scan3A_183 = arith.constant 1 : i32
    scf.for %scan3A_592 = %scan3A_180 to %scan3A_182 step %scan3A_183  : i32 {
      %mul3A_593 = arith.constant 16 : i32
      %mul3A_594 = arith.muli %scan3A_592, %mul3A_593 : i32
      %add3A_595 = arith.constant 320 : i32
      %add3A_596 = arith.addi %add3A_595, %mul3A_594 : i32
      %get3A_597 = arith.index_cast %add3A_596 : i32 to index
      %get3A_598 = tpu.vector_load %arg5[%get3A_597] {strides = array<i32>} : memref<512xi32, #tpu.memory_space<vmem>>, vector<16xi32>,
      %get3A_599 = vector.shape_cast %get3A_598 : vector<16xi32> to vector<16xi32>
      %shift_right_logical3A_600 = arith.constant 7 : i32
      %shift_right_logical3A_601 = vector.broadcast %shift_right_logical3A_600 : i32 to vector<16xi32>
      %shift_right_logical3A_602 = arith.shrui %get3A_599, %shift_right_logical3A_601 : vector<16xi32>
      %convert_element_type3A_603 = arith.sitofp %shift_right_logical3A_602 : vector<16xi32> to vector<16xf32>
      %mul3A_604 = arith.constant 0.00148148148 : f32
      %mul3A_605 = vector.broadcast %mul3A_604 : f32 to vector<16xf32>
      %mul3A_606 = arith.mulf %convert_element_type3A_603, %mul3A_605 : vector<16xf32>
      %convert_element_type3A_607 = arith.fptosi %mul3A_606 : vector<16xf32> to vector<16xi32>
      %mul3A_608 = arith.constant 86400 : i32
      %mul3A_609 = vector.broadcast %mul3A_608 : i32 to vector<16xi32>
      %mul3A_610 = arith.muli %convert_element_type3A_607, %mul3A_609 : vector<16xi32>
      %sub3A_611 = arith.subi %get3A_599, %mul3A_610 : vector<16xi32>
      %lt3A_612 = arith.constant 0 : i32
      %lt3A_613 = vector.broadcast %lt3A_612 : i32 to vector<16xi32>
      %lt3A_614 = arith.cmpi slt, %sub3A_611, %lt3A_613 : vector<16xi32>
      %add3A_615 = arith.constant 86400 : i32
      %add3A_616 = vector.broadcast %add3A_615 : i32 to vector<16xi32>
      %add3A_617 = arith.addi %sub3A_611, %add3A_616 : vector<16xi32>
      %select_n3A_618 = arith.select %lt3A_614, %add3A_617, %sub3A_611 : vector<16xi1>, vector<16xi32>
      %ge3A_619 = arith.constant 86400 : i32
      %ge3A_620 = vector.broadcast %ge3A_619 : i32 to vector<16xi32>
      %ge3A_621 = arith.cmpi sge, %select_n3A_618, %ge3A_620 : vector<16xi32>
      %sub3A_622 = arith.constant 86400 : i32
      %sub3A_623 = vector.broadcast %sub3A_622 : i32 to vector<16xi32>
      %sub3A_624 = arith.subi %select_n3A_618, %sub3A_623 : vector<16xi32>
      %select_n3A_625 = arith.select %ge3A_621, %sub3A_624, %select_n3A_618 : vector<16xi1>, vector<16xi32>
      %convert_element_type3A_626 = arith.sitofp %select_n3A_625 : vector<16xi32> to vector<16xf32>
      %mul3A_627 = arith.constant 2.77777785E-4 : f32
      %mul3A_628 = vector.broadcast %mul3A_627 : f32 to vector<16xf32>
      %mul3A_629 = arith.mulf %convert_element_type3A_626, %mul3A_628 : vector<16xf32>
      %convert_element_type3A_630 = arith.fptosi %mul3A_629 : vector<16xf32> to vector<16xi32>
      %mul3A_631 = arith.constant 3600 : i32
      %mul3A_632 = vector.broadcast %mul3A_631 : i32 to vector<16xi32>
      %mul3A_633 = arith.muli %convert_element_type3A_630, %mul3A_632 : vector<16xi32>
      %sub3A_634 = arith.subi %select_n3A_625, %mul3A_633 : vector<16xi32>
      %lt3A_635 = arith.constant 0 : i32
      %lt3A_636 = vector.broadcast %lt3A_635 : i32 to vector<16xi32>
      %lt3A_637 = arith.cmpi slt, %sub3A_634, %lt3A_636 : vector<16xi32>
      %sub3A_638 = arith.constant 1 : i32
      %sub3A_639 = vector.broadcast %sub3A_638 : i32 to vector<16xi32>
      %sub3A_640 = arith.subi %convert_element_type3A_630, %sub3A_639 : vector<16xi32>
      %select_n3A_641 = arith.select %lt3A_637, %sub3A_640, %convert_element_type3A_630 : vector<16xi1>, vector<16xi32>
      %lt3A_642 = arith.constant 0 : i32
      %lt3A_643 = vector.broadcast %lt3A_642 : i32 to vector<16xi32>
      %lt3A_644 = arith.cmpi slt, %sub3A_634, %lt3A_643 : vector<16xi32>
      %add3A_645 = arith.constant 3600 : i32
      %add3A_646 = vector.broadcast %add3A_645 : i32 to vector<16xi32>
      %add3A_647 = arith.addi %sub3A_634, %add3A_646 : vector<16xi32>
      %select_n3A_648 = arith.select %lt3A_644, %add3A_647, %sub3A_634 : vector<16xi1>, vector<16xi32>
      %ge3A_649 = arith.constant 3600 : i32
      %ge3A_650 = vector.broadcast %ge3A_649 : i32 to vector<16xi32>
      %ge3A_651 = arith.cmpi sge, %select_n3A_648, %ge3A_650 : vector<16xi32>
      %add3A_652 = arith.constant 1 : i32
      %add3A_653 = vector.broadcast %add3A_652 : i32 to vector<16xi32>
      %add3A_654 = arith.addi %select_n3A_641, %add3A_653 : vector<16xi32>
      %select_n3A_655 = arith.select %ge3A_651, %add3A_654, %select_n3A_641 : vector<16xi1>, vector<16xi32>
      %mul3A_656 = arith.constant 16 : i32
      %mul3A_657 = arith.muli %scan3A_592, %mul3A_656 : i32
      %add3A_658 = arith.constant 0 : i32
      %add3A_659 = arith.addi %add3A_658, %mul3A_657 : i32
      %swap3A_660 = arith.constant 5 : i32
      %swap3A_661 = arith.index_cast %swap3A_660 : i32 to index
      %swap3A_662 = arith.index_cast %add3A_659 : i32 to index
      %swap3A_663 = tpu.vector_load %arg6[%swap3A_661, %swap3A_662] {strides = array<i32>} : memref<8x64xi32, #tpu.memory_space<vmem>>, vector<1x16xi32>,
      %swap3A_664 = vector.shape_cast %swap3A_663 : vector<1x16xi32> to vector<16xi32>
      %swap3A_665 = vector.shape_cast %select_n3A_655 : vector<16xi32> to vector<1x16xi32>
      tpu.vector_store %arg6[%swap3A_661, %swap3A_662], %swap3A_665 {strides = array<i32>} : memref<8x64xi32, #tpu.memory_space<vmem>>, vector<1x16xi32>,
    }
    %scan3A_184 = arith.constant 4 : i32
    %dma_start3A_185 = arith.constant 5 : i32
    %dma_start3A_186 = arith.constant 5 : i32
    %dma_start3A_187 = arith.constant 0 : i32
    %dma_start3A_188 = arith.constant 0 : i32
    %dma_start3A_189 = tpu.memref_slice %arg7[%dma_start3A_186, %dma_start3A_187, %dma_start3A_188] : memref<8x64x128xf32, #tpu.memory_space<vmem>> -> memref<1x64x128xf32, #tpu.memory_space<vmem>>
    %dma_start3A_190 = tpu.memref_squeeze %dma_start3A_189 : memref<1x64x128xf32, #tpu.memory_space<vmem>> -> memref<64x128xf32, #tpu.memory_space<vmem>>
    %dma_start3A_191 = arith.constant 0 : i32
    %dma_start3A_192 = tpu.memref_slice %arg6[%dma_start3A_185, %dma_start3A_191] : memref<8x64xi32, #tpu.memory_space<vmem>> -> memref<1x64xi32, #tpu.memory_space<vmem>>
    %dma_start3A_193 = tpu.memref_squeeze %dma_start3A_192 : memref<1x64xi32, #tpu.memory_space<vmem>> -> memref<64xi32, #tpu.memory_space<vmem>>
    %dma_start3A_194 = arith.constant 0 : i32
    %dma_start3A_195 = arith.constant 0 : i32
    %dma_start3A_196 = tpu.memref_slice %arg8[%dma_start3A_194, %dma_start3A_195] : memref<24x128xf32, #tpu.memory_space<vmem_shared>> -> memref<24x128xf32, #tpu.memory_space<vmem_shared>>
    tpu.enqueue_indirect_dma source(%dma_start3A_196 : memref<24x128xf32, #tpu.memory_space<vmem_shared>>) target(%dma_start3A_190 : memref<64x128xf32, #tpu.memory_space<vmem>>) offsets(%dma_start3A_193 : memref<64xi32, #tpu.memory_space<vmem>>) semaphore(%arg15 : memref<!tpu.dma_semaphore, #tpu.memory_space<semaphore_mem>>)
    %scan3A_197 = arith.constant 0 : i32
    %scan3A_198 = arith.constant 0 : i32
    %scan3A_199 = arith.constant 4 : i32
    %scan3A_200 = arith.addi %scan3A_198, %scan3A_199 : i32
    %scan3A_201 = arith.constant 1 : i32
    scf.for %scan3A_592 = %scan3A_198 to %scan3A_200 step %scan3A_201  : i32 {
      %mul3A_593 = arith.constant 16 : i32
      %mul3A_594 = arith.muli %scan3A_592, %mul3A_593 : i32
      %add3A_595 = arith.constant 384 : i32
      %add3A_596 = arith.addi %add3A_595, %mul3A_594 : i32
      %get3A_597 = arith.index_cast %add3A_596 : i32 to index
      %get3A_598 = tpu.vector_load %arg5[%get3A_597] {strides = array<i32>} : memref<512xi32, #tpu.memory_space<vmem>>, vector<16xi32>,
      %get3A_599 = vector.shape_cast %get3A_598 : vector<16xi32> to vector<16xi32>
      %shift_right_logical3A_600 = arith.constant 7 : i32
      %shift_right_logical3A_601 = vector.broadcast %shift_right_logical3A_600 : i32 to vector<16xi32>
      %shift_right_logical3A_602 = arith.shrui %get3A_599, %shift_right_logical3A_601 : vector<16xi32>
      %convert_element_type3A_603 = arith.sitofp %shift_right_logical3A_602 : vector<16xi32> to vector<16xf32>
      %mul3A_604 = arith.constant 0.00148148148 : f32
      %mul3A_605 = vector.broadcast %mul3A_604 : f32 to vector<16xf32>
      %mul3A_606 = arith.mulf %convert_element_type3A_603, %mul3A_605 : vector<16xf32>
      %convert_element_type3A_607 = arith.fptosi %mul3A_606 : vector<16xf32> to vector<16xi32>
      %mul3A_608 = arith.constant 86400 : i32
      %mul3A_609 = vector.broadcast %mul3A_608 : i32 to vector<16xi32>
      %mul3A_610 = arith.muli %convert_element_type3A_607, %mul3A_609 : vector<16xi32>
      %sub3A_611 = arith.subi %get3A_599, %mul3A_610 : vector<16xi32>
      %lt3A_612 = arith.constant 0 : i32
      %lt3A_613 = vector.broadcast %lt3A_612 : i32 to vector<16xi32>
      %lt3A_614 = arith.cmpi slt, %sub3A_611, %lt3A_613 : vector<16xi32>
      %add3A_615 = arith.constant 86400 : i32
      %add3A_616 = vector.broadcast %add3A_615 : i32 to vector<16xi32>
      %add3A_617 = arith.addi %sub3A_611, %add3A_616 : vector<16xi32>
      %select_n3A_618 = arith.select %lt3A_614, %add3A_617, %sub3A_611 : vector<16xi1>, vector<16xi32>
      %ge3A_619 = arith.constant 86400 : i32
      %ge3A_620 = vector.broadcast %ge3A_619 : i32 to vector<16xi32>
      %ge3A_621 = arith.cmpi sge, %select_n3A_618, %ge3A_620 : vector<16xi32>
      %sub3A_622 = arith.constant 86400 : i32
      %sub3A_623 = vector.broadcast %sub3A_622 : i32 to vector<16xi32>
      %sub3A_624 = arith.subi %select_n3A_618, %sub3A_623 : vector<16xi32>
      %select_n3A_625 = arith.select %ge3A_621, %sub3A_624, %select_n3A_618 : vector<16xi1>, vector<16xi32>
      %convert_element_type3A_626 = arith.sitofp %select_n3A_625 : vector<16xi32> to vector<16xf32>
      %mul3A_627 = arith.constant 2.77777785E-4 : f32
      %mul3A_628 = vector.broadcast %mul3A_627 : f32 to vector<16xf32>
      %mul3A_629 = arith.mulf %convert_element_type3A_626, %mul3A_628 : vector<16xf32>
      %convert_element_type3A_630 = arith.fptosi %mul3A_629 : vector<16xf32> to vector<16xi32>
      %mul3A_631 = arith.constant 3600 : i32
      %mul3A_632 = vector.broadcast %mul3A_631 : i32 to vector<16xi32>
      %mul3A_633 = arith.muli %convert_element_type3A_630, %mul3A_632 : vector<16xi32>
      %sub3A_634 = arith.subi %select_n3A_625, %mul3A_633 : vector<16xi32>
      %lt3A_635 = arith.constant 0 : i32
      %lt3A_636 = vector.broadcast %lt3A_635 : i32 to vector<16xi32>
      %lt3A_637 = arith.cmpi slt, %sub3A_634, %lt3A_636 : vector<16xi32>
      %sub3A_638 = arith.constant 1 : i32
      %sub3A_639 = vector.broadcast %sub3A_638 : i32 to vector<16xi32>
      %sub3A_640 = arith.subi %convert_element_type3A_630, %sub3A_639 : vector<16xi32>
      %select_n3A_641 = arith.select %lt3A_637, %sub3A_640, %convert_element_type3A_630 : vector<16xi1>, vector<16xi32>
      %lt3A_642 = arith.constant 0 : i32
      %lt3A_643 = vector.broadcast %lt3A_642 : i32 to vector<16xi32>
      %lt3A_644 = arith.cmpi slt, %sub3A_634, %lt3A_643 : vector<16xi32>
      %add3A_645 = arith.constant 3600 : i32
      %add3A_646 = vector.broadcast %add3A_645 : i32 to vector<16xi32>
      %add3A_647 = arith.addi %sub3A_634, %add3A_646 : vector<16xi32>
      %select_n3A_648 = arith.select %lt3A_644, %add3A_647, %sub3A_634 : vector<16xi1>, vector<16xi32>
      %ge3A_649 = arith.constant 3600 : i32
      %ge3A_650 = vector.broadcast %ge3A_649 : i32 to vector<16xi32>
      %ge3A_651 = arith.cmpi sge, %select_n3A_648, %ge3A_650 : vector<16xi32>
      %add3A_652 = arith.constant 1 : i32
      %add3A_653 = vector.broadcast %add3A_652 : i32 to vector<16xi32>
      %add3A_654 = arith.addi %select_n3A_641, %add3A_653 : vector<16xi32>
      %select_n3A_655 = arith.select %ge3A_651, %add3A_654, %select_n3A_641 : vector<16xi1>, vector<16xi32>
      %mul3A_656 = arith.constant 16 : i32
      %mul3A_657 = arith.muli %scan3A_592, %mul3A_656 : i32
      %add3A_658 = arith.constant 0 : i32
      %add3A_659 = arith.addi %add3A_658, %mul3A_657 : i32
      %swap3A_660 = arith.constant 6 : i32
      %swap3A_661 = arith.index_cast %swap3A_660 : i32 to index
      %swap3A_662 = arith.index_cast %add3A_659 : i32 to index
      %swap3A_663 = tpu.vector_load %arg6[%swap3A_661, %swap3A_662] {strides = array<i32>} : memref<8x64xi32, #tpu.memory_space<vmem>>, vector<1x16xi32>,
      %swap3A_664 = vector.shape_cast %swap3A_663 : vector<1x16xi32> to vector<16xi32>
      %swap3A_665 = vector.shape_cast %select_n3A_655 : vector<16xi32> to vector<1x16xi32>
      tpu.vector_store %arg6[%swap3A_661, %swap3A_662], %swap3A_665 {strides = array<i32>} : memref<8x64xi32, #tpu.memory_space<vmem>>, vector<1x16xi32>,
    }
    %scan3A_202 = arith.constant 4 : i32
    %dma_start3A_203 = arith.constant 6 : i32
    %dma_start3A_204 = arith.constant 6 : i32
    %dma_start3A_205 = arith.constant 0 : i32
    %dma_start3A_206 = arith.constant 0 : i32
    %dma_start3A_207 = tpu.memref_slice %arg7[%dma_start3A_204, %dma_start3A_205, %dma_start3A_206] : memref<8x64x128xf32, #tpu.memory_space<vmem>> -> memref<1x64x128xf32, #tpu.memory_space<vmem>>
    %dma_start3A_208 = tpu.memref_squeeze %dma_start3A_207 : memref<1x64x128xf32, #tpu.memory_space<vmem>> -> memref<64x128xf32, #tpu.memory_space<vmem>>
    %dma_start3A_209 = arith.constant 0 : i32
    %dma_start3A_210 = tpu.memref_slice %arg6[%dma_start3A_203, %dma_start3A_209] : memref<8x64xi32, #tpu.memory_space<vmem>> -> memref<1x64xi32, #tpu.memory_space<vmem>>
    %dma_start3A_211 = tpu.memref_squeeze %dma_start3A_210 : memref<1x64xi32, #tpu.memory_space<vmem>> -> memref<64xi32, #tpu.memory_space<vmem>>
    %dma_start3A_212 = arith.constant 0 : i32
    %dma_start3A_213 = arith.constant 0 : i32
    %dma_start3A_214 = tpu.memref_slice %arg8[%dma_start3A_212, %dma_start3A_213] : memref<24x128xf32, #tpu.memory_space<vmem_shared>> -> memref<24x128xf32, #tpu.memory_space<vmem_shared>>
    tpu.enqueue_indirect_dma source(%dma_start3A_214 : memref<24x128xf32, #tpu.memory_space<vmem_shared>>) target(%dma_start3A_208 : memref<64x128xf32, #tpu.memory_space<vmem>>) offsets(%dma_start3A_211 : memref<64xi32, #tpu.memory_space<vmem>>) semaphore(%arg16 : memref<!tpu.dma_semaphore, #tpu.memory_space<semaphore_mem>>)
    %scan3A_215 = arith.constant 0 : i32
    %scan3A_216 = arith.constant 0 : i32
    %scan3A_217 = arith.constant 4 : i32
    %scan3A_218 = arith.addi %scan3A_216, %scan3A_217 : i32
    %scan3A_219 = arith.constant 1 : i32
    scf.for %scan3A_592 = %scan3A_216 to %scan3A_218 step %scan3A_219  : i32 {
      %mul3A_593 = arith.constant 16 : i32
      %mul3A_594 = arith.muli %scan3A_592, %mul3A_593 : i32
      %add3A_595 = arith.constant 448 : i32
      %add3A_596 = arith.addi %add3A_595, %mul3A_594 : i32
      %get3A_597 = arith.index_cast %add3A_596 : i32 to index
      %get3A_598 = tpu.vector_load %arg5[%get3A_597] {strides = array<i32>} : memref<512xi32, #tpu.memory_space<vmem>>, vector<16xi32>,
      %get3A_599 = vector.shape_cast %get3A_598 : vector<16xi32> to vector<16xi32>
      %shift_right_logical3A_600 = arith.constant 7 : i32
      %shift_right_logical3A_601 = vector.broadcast %shift_right_logical3A_600 : i32 to vector<16xi32>
      %shift_right_logical3A_602 = arith.shrui %get3A_599, %shift_right_logical3A_601 : vector<16xi32>
      %convert_element_type3A_603 = arith.sitofp %shift_right_logical3A_602 : vector<16xi32> to vector<16xf32>
      %mul3A_604 = arith.constant 0.00148148148 : f32
      %mul3A_605 = vector.broadcast %mul3A_604 : f32 to vector<16xf32>
      %mul3A_606 = arith.mulf %convert_element_type3A_603, %mul3A_605 : vector<16xf32>
      %convert_element_type3A_607 = arith.fptosi %mul3A_606 : vector<16xf32> to vector<16xi32>
      %mul3A_608 = arith.constant 86400 : i32
      %mul3A_609 = vector.broadcast %mul3A_608 : i32 to vector<16xi32>
      %mul3A_610 = arith.muli %convert_element_type3A_607, %mul3A_609 : vector<16xi32>
      %sub3A_611 = arith.subi %get3A_599, %mul3A_610 : vector<16xi32>
      %lt3A_612 = arith.constant 0 : i32
      %lt3A_613 = vector.broadcast %lt3A_612 : i32 to vector<16xi32>
      %lt3A_614 = arith.cmpi slt, %sub3A_611, %lt3A_613 : vector<16xi32>
      %add3A_615 = arith.constant 86400 : i32
      %add3A_616 = vector.broadcast %add3A_615 : i32 to vector<16xi32>
      %add3A_617 = arith.addi %sub3A_611, %add3A_616 : vector<16xi32>
      %select_n3A_618 = arith.select %lt3A_614, %add3A_617, %sub3A_611 : vector<16xi1>, vector<16xi32>
      %ge3A_619 = arith.constant 86400 : i32
      %ge3A_620 = vector.broadcast %ge3A_619 : i32 to vector<16xi32>
      %ge3A_621 = arith.cmpi sge, %select_n3A_618, %ge3A_620 : vector<16xi32>
      %sub3A_622 = arith.constant 86400 : i32
      %sub3A_623 = vector.broadcast %sub3A_622 : i32 to vector<16xi32>
      %sub3A_624 = arith.subi %select_n3A_618, %sub3A_623 : vector<16xi32>
      %select_n3A_625 = arith.select %ge3A_621, %sub3A_624, %select_n3A_618 : vector<16xi1>, vector<16xi32>
      %convert_element_type3A_626 = arith.sitofp %select_n3A_625 : vector<16xi32> to vector<16xf32>
      %mul3A_627 = arith.constant 2.77777785E-4 : f32
      %mul3A_628 = vector.broadcast %mul3A_627 : f32 to vector<16xf32>
      %mul3A_629 = arith.mulf %convert_element_type3A_626, %mul3A_628 : vector<16xf32>
      %convert_element_type3A_630 = arith.fptosi %mul3A_629 : vector<16xf32> to vector<16xi32>
      %mul3A_631 = arith.constant 3600 : i32
      %mul3A_632 = vector.broadcast %mul3A_631 : i32 to vector<16xi32>
      %mul3A_633 = arith.muli %convert_element_type3A_630, %mul3A_632 : vector<16xi32>
      %sub3A_634 = arith.subi %select_n3A_625, %mul3A_633 : vector<16xi32>
      %lt3A_635 = arith.constant 0 : i32
      %lt3A_636 = vector.broadcast %lt3A_635 : i32 to vector<16xi32>
      %lt3A_637 = arith.cmpi slt, %sub3A_634, %lt3A_636 : vector<16xi32>
      %sub3A_638 = arith.constant 1 : i32
      %sub3A_639 = vector.broadcast %sub3A_638 : i32 to vector<16xi32>
      %sub3A_640 = arith.subi %convert_element_type3A_630, %sub3A_639 : vector<16xi32>
      %select_n3A_641 = arith.select %lt3A_637, %sub3A_640, %convert_element_type3A_630 : vector<16xi1>, vector<16xi32>
      %lt3A_642 = arith.constant 0 : i32
      %lt3A_643 = vector.broadcast %lt3A_642 : i32 to vector<16xi32>
      %lt3A_644 = arith.cmpi slt, %sub3A_634, %lt3A_643 : vector<16xi32>
      %add3A_645 = arith.constant 3600 : i32
      %add3A_646 = vector.broadcast %add3A_645 : i32 to vector<16xi32>
      %add3A_647 = arith.addi %sub3A_634, %add3A_646 : vector<16xi32>
      %select_n3A_648 = arith.select %lt3A_644, %add3A_647, %sub3A_634 : vector<16xi1>, vector<16xi32>
      %ge3A_649 = arith.constant 3600 : i32
      %ge3A_650 = vector.broadcast %ge3A_649 : i32 to vector<16xi32>
      %ge3A_651 = arith.cmpi sge, %select_n3A_648, %ge3A_650 : vector<16xi32>
      %add3A_652 = arith.constant 1 : i32
      %add3A_653 = vector.broadcast %add3A_652 : i32 to vector<16xi32>
      %add3A_654 = arith.addi %select_n3A_641, %add3A_653 : vector<16xi32>
      %select_n3A_655 = arith.select %ge3A_651, %add3A_654, %select_n3A_641 : vector<16xi1>, vector<16xi32>
      %mul3A_656 = arith.constant 16 : i32
      %mul3A_657 = arith.muli %scan3A_592, %mul3A_656 : i32
      %add3A_658 = arith.constant 0 : i32
      %add3A_659 = arith.addi %add3A_658, %mul3A_657 : i32
      %swap3A_660 = arith.constant 7 : i32
      %swap3A_661 = arith.index_cast %swap3A_660 : i32 to index
      %swap3A_662 = arith.index_cast %add3A_659 : i32 to index
      %swap3A_663 = tpu.vector_load %arg6[%swap3A_661, %swap3A_662] {strides = array<i32>} : memref<8x64xi32, #tpu.memory_space<vmem>>, vector<1x16xi32>,
      %swap3A_664 = vector.shape_cast %swap3A_663 : vector<1x16xi32> to vector<16xi32>
      %swap3A_665 = vector.shape_cast %select_n3A_655 : vector<16xi32> to vector<1x16xi32>
      tpu.vector_store %arg6[%swap3A_661, %swap3A_662], %swap3A_665 {strides = array<i32>} : memref<8x64xi32, #tpu.memory_space<vmem>>, vector<1x16xi32>,
    }
    %scan3A_220 = arith.constant 4 : i32
    %dma_start3A_221 = arith.constant 7 : i32
    %dma_start3A_222 = arith.constant 7 : i32
    %dma_start3A_223 = arith.constant 0 : i32
    %dma_start3A_224 = arith.constant 0 : i32
    %dma_start3A_225 = tpu.memref_slice %arg7[%dma_start3A_222, %dma_start3A_223, %dma_start3A_224] : memref<8x64x128xf32, #tpu.memory_space<vmem>> -> memref<1x64x128xf32, #tpu.memory_space<vmem>>
    %dma_start3A_226 = tpu.memref_squeeze %dma_start3A_225 : memref<1x64x128xf32, #tpu.memory_space<vmem>> -> memref<64x128xf32, #tpu.memory_space<vmem>>
    %dma_start3A_227 = arith.constant 0 : i32
    %dma_start3A_228 = tpu.memref_slice %arg6[%dma_start3A_221, %dma_start3A_227] : memref<8x64xi32, #tpu.memory_space<vmem>> -> memref<1x64xi32, #tpu.memory_space<vmem>>
    %dma_start3A_229 = tpu.memref_squeeze %dma_start3A_228 : memref<1x64xi32, #tpu.memory_space<vmem>> -> memref<64xi32, #tpu.memory_space<vmem>>
    %dma_start3A_230 = arith.constant 0 : i32
    %dma_start3A_231 = arith.constant 0 : i32
    %dma_start3A_232 = tpu.memref_slice %arg8[%dma_start3A_230, %dma_start3A_231] : memref<24x128xf32, #tpu.memory_space<vmem_shared>> -> memref<24x128xf32, #tpu.memory_space<vmem_shared>>
    tpu.enqueue_indirect_dma source(%dma_start3A_232 : memref<24x128xf32, #tpu.memory_space<vmem_shared>>) target(%dma_start3A_226 : memref<64x128xf32, #tpu.memory_space<vmem>>) offsets(%dma_start3A_229 : memref<64xi32, #tpu.memory_space<vmem>>) semaphore(%arg17 : memref<!tpu.dma_semaphore, #tpu.memory_space<semaphore_mem>>)
    %dma_wait3A = arith.constant 0 : i32
    %dma_wait3A_233 = arith.constant 0 : i32
    %dma_wait3A_234 = arith.constant 0 : i32
    %dma_wait3A_235 = arith.constant 0 : i32
    %dma_wait3A_236 = tpu.memref_slice %arg7[%dma_wait3A_233, %dma_wait3A_234, %dma_wait3A_235] : memref<8x64x128xf32, #tpu.memory_space<vmem>> -> memref<1x16x128xf32, #tpu.memory_space<vmem>>
    %dma_wait3A_237 = tpu.memref_squeeze %dma_wait3A_236 : memref<1x16x128xf32, #tpu.memory_space<vmem>> -> memref<16x128xf32, #tpu.memory_space<vmem>>
    %dma_wait3A_238 = arith.constant 0 : i32
    %dma_wait3A_239 = tpu.memref_slice %arg6[%dma_wait3A, %dma_wait3A_238] : memref<8x64xi32, #tpu.memory_space<vmem>> -> memref<1x16xi32, #tpu.memory_space<vmem>>
    %dma_wait3A_240 = tpu.memref_squeeze %dma_wait3A_239 : memref<1x16xi32, #tpu.memory_space<vmem>> -> memref<16xi32, #tpu.memory_space<vmem>>
    %dma_wait3A_241 = arith.constant 0 : i32
    %dma_wait3A_242 = arith.constant 0 : i32
    %dma_wait3A_243 = tpu.memref_slice %arg8[%dma_wait3A_241, %dma_wait3A_242] : memref<24x128xf32, #tpu.memory_space<vmem_shared>> -> memref<24x128xf32, #tpu.memory_space<vmem_shared>>
    tpu.wait_indirect_dma semaphore(%arg9 : memref<!tpu.dma_semaphore, #tpu.memory_space<semaphore_mem>>) src(%dma_wait3A_243 : memref<24x128xf32, #tpu.memory_space<vmem_shared>>) dst(%dma_wait3A_237 : memref<16x128xf32, #tpu.memory_space<vmem>>)
    %add3A_244 = arith.constant 0 : i32
    %add3A_245 = arith.addi %mul3A_2, %add3A_244 : i32
    %dma_start3A_246 = arith.constant 0 : i32
    %dma_start3A_247 = arith.constant 0 : i32
    %dma_start3A_248 = arith.constant 0 : i32
    %dma_start3A_249 = tpu.memref_slice %arg7[%dma_start3A_246, %dma_start3A_247, %dma_start3A_248] : memref<8x64x128xf32, #tpu.memory_space<vmem>> -> memref<1x16x128xf32, #tpu.memory_space<vmem>>
    %dma_start3A_250 = tpu.memref_squeeze %dma_start3A_249 : memref<1x16x128xf32, #tpu.memory_space<vmem>> -> memref<16x128xf32, #tpu.memory_space<vmem>>
    %dma_start3A_251 = arith.constant 0 : i32
    %dma_start3A_252 = tpu.memref_slice %arg4[%add3A_245, %dma_start3A_251] : memref<16384x128xf32, #tpu.memory_space<hbm>> -> memref<16x128xf32, #tpu.memory_space<hbm>>
    %dma_start3A_253 = arith.constant 0 : i32
    %dma_start3A_254 = tpu.memref_slice %arg4[%add3A_245, %dma_start3A_253] : memref<16384x128xf32, #tpu.memory_space<hbm>> -> memref<16x128xf32, #tpu.memory_space<hbm>>
    %dma_start3A_255 = arith.constant 0 : i32
    %dma_start3A_256 = arith.constant 0 : i32
    %dma_start3A_257 = tpu.memref_slice %arg7[%dma_start3A_246, %dma_start3A_255, %dma_start3A_256] : memref<8x64x128xf32, #tpu.memory_space<vmem>> -> memref<1x16x128xf32, #tpu.memory_space<vmem>>
    %dma_start3A_258 = tpu.memref_squeeze %dma_start3A_257 : memref<1x16x128xf32, #tpu.memory_space<vmem>> -> memref<16x128xf32, #tpu.memory_space<vmem>>
    tpu.enqueue_dma source(%dma_start3A_258 : memref<16x128xf32, #tpu.memory_space<vmem>>) target(%dma_start3A_254 : memref<16x128xf32, #tpu.memory_space<hbm>>) target_semaphore(%arg18 : memref<!tpu.dma_semaphore, #tpu.memory_space<semaphore_mem>>)
    %dma_wait3A_259 = arith.constant 0 : i32
    %dma_wait3A_260 = arith.constant 0 : i32
    %dma_wait3A_261 = arith.constant 16 : i32
    %dma_wait3A_262 = arith.constant 0 : i32
    %dma_wait3A_263 = tpu.memref_slice %arg7[%dma_wait3A_260, %dma_wait3A_261, %dma_wait3A_262] : memref<8x64x128xf32, #tpu.memory_space<vmem>> -> memref<1x48x128xf32, #tpu.memory_space<vmem>>
    %dma_wait3A_264 = tpu.memref_squeeze %dma_wait3A_263 : memref<1x48x128xf32, #tpu.memory_space<vmem>> -> memref<48x128xf32, #tpu.memory_space<vmem>>
    %dma_wait3A_265 = arith.constant 16 : i32
    %dma_wait3A_266 = tpu.memref_slice %arg6[%dma_wait3A_259, %dma_wait3A_265] : memref<8x64xi32, #tpu.memory_space<vmem>> -> memref<1x48xi32, #tpu.memory_space<vmem>>
    %dma_wait3A_267 = tpu.memref_squeeze %dma_wait3A_266 : memref<1x48xi32, #tpu.memory_space<vmem>> -> memref<48xi32, #tpu.memory_space<vmem>>
    %dma_wait3A_268 = arith.constant 0 : i32
    %dma_wait3A_269 = arith.constant 0 : i32
    %dma_wait3A_270 = tpu.memref_slice %arg8[%dma_wait3A_268, %dma_wait3A_269] : memref<24x128xf32, #tpu.memory_space<vmem_shared>> -> memref<24x128xf32, #tpu.memory_space<vmem_shared>>
    tpu.wait_indirect_dma semaphore(%arg10 : memref<!tpu.dma_semaphore, #tpu.memory_space<semaphore_mem>>) src(%dma_wait3A_270 : memref<24x128xf32, #tpu.memory_space<vmem_shared>>) dst(%dma_wait3A_264 : memref<48x128xf32, #tpu.memory_space<vmem>>)
    %add3A_271 = arith.constant 16 : i32
    %add3A_272 = arith.addi %mul3A_2, %add3A_271 : i32
    %dma_start3A_273 = arith.constant 0 : i32
    %dma_start3A_274 = arith.constant 16 : i32
    %dma_start3A_275 = arith.constant 0 : i32
    %dma_start3A_276 = tpu.memref_slice %arg7[%dma_start3A_273, %dma_start3A_274, %dma_start3A_275] : memref<8x64x128xf32, #tpu.memory_space<vmem>> -> memref<1x48x128xf32, #tpu.memory_space<vmem>>
    %dma_start3A_277 = tpu.memref_squeeze %dma_start3A_276 : memref<1x48x128xf32, #tpu.memory_space<vmem>> -> memref<48x128xf32, #tpu.memory_space<vmem>>
    %dma_start3A_278 = arith.constant 0 : i32
    %dma_start3A_279 = tpu.memref_slice %arg4[%add3A_272, %dma_start3A_278] : memref<16384x128xf32, #tpu.memory_space<hbm>> -> memref<48x128xf32, #tpu.memory_space<hbm>>
    %dma_start3A_280 = arith.constant 0 : i32
    %dma_start3A_281 = tpu.memref_slice %arg4[%add3A_272, %dma_start3A_280] : memref<16384x128xf32, #tpu.memory_space<hbm>> -> memref<48x128xf32, #tpu.memory_space<hbm>>
    %dma_start3A_282 = arith.constant 16 : i32
    %dma_start3A_283 = arith.constant 0 : i32
    %dma_start3A_284 = tpu.memref_slice %arg7[%dma_start3A_273, %dma_start3A_282, %dma_start3A_283] : memref<8x64x128xf32, #tpu.memory_space<vmem>> -> memref<1x48x128xf32, #tpu.memory_space<vmem>>
    %dma_start3A_285 = tpu.memref_squeeze %dma_start3A_284 : memref<1x48x128xf32, #tpu.memory_space<vmem>> -> memref<48x128xf32, #tpu.memory_space<vmem>>
    tpu.enqueue_dma source(%dma_start3A_285 : memref<48x128xf32, #tpu.memory_space<vmem>>) target(%dma_start3A_281 : memref<48x128xf32, #tpu.memory_space<hbm>>) target_semaphore(%arg18 : memref<!tpu.dma_semaphore, #tpu.memory_space<semaphore_mem>>)
    %dma_wait3A_286 = arith.constant 1 : i32
    %dma_wait3A_287 = arith.constant 1 : i32
    %dma_wait3A_288 = arith.constant 0 : i32
    %dma_wait3A_289 = arith.constant 0 : i32
    %dma_wait3A_290 = tpu.memref_slice %arg7[%dma_wait3A_287, %dma_wait3A_288, %dma_wait3A_289] : memref<8x64x128xf32, #tpu.memory_space<vmem>> -> memref<1x64x128xf32, #tpu.memory_space<vmem>>
    %dma_wait3A_291 = tpu.memref_squeeze %dma_wait3A_290 : memref<1x64x128xf32, #tpu.memory_space<vmem>> -> memref<64x128xf32, #tpu.memory_space<vmem>>
    %dma_wait3A_292 = arith.constant 0 : i32
    %dma_wait3A_293 = tpu.memref_slice %arg6[%dma_wait3A_286, %dma_wait3A_292] : memref<8x64xi32, #tpu.memory_space<vmem>> -> memref<1x64xi32, #tpu.memory_space<vmem>>
    %dma_wait3A_294 = tpu.memref_squeeze %dma_wait3A_293 : memref<1x64xi32, #tpu.memory_space<vmem>> -> memref<64xi32, #tpu.memory_space<vmem>>
    %dma_wait3A_295 = arith.constant 0 : i32
    %dma_wait3A_296 = arith.constant 0 : i32
    %dma_wait3A_297 = tpu.memref_slice %arg8[%dma_wait3A_295, %dma_wait3A_296] : memref<24x128xf32, #tpu.memory_space<vmem_shared>> -> memref<24x128xf32, #tpu.memory_space<vmem_shared>>
    tpu.wait_indirect_dma semaphore(%arg11 : memref<!tpu.dma_semaphore, #tpu.memory_space<semaphore_mem>>) src(%dma_wait3A_297 : memref<24x128xf32, #tpu.memory_space<vmem_shared>>) dst(%dma_wait3A_291 : memref<64x128xf32, #tpu.memory_space<vmem>>)
    %add3A_298 = arith.constant 64 : i32
    %add3A_299 = arith.addi %mul3A_2, %add3A_298 : i32
    %dma_start3A_300 = arith.constant 1 : i32
    %dma_start3A_301 = arith.constant 0 : i32
    %dma_start3A_302 = arith.constant 0 : i32
    %dma_start3A_303 = tpu.memref_slice %arg7[%dma_start3A_300, %dma_start3A_301, %dma_start3A_302] : memref<8x64x128xf32, #tpu.memory_space<vmem>> -> memref<1x64x128xf32, #tpu.memory_space<vmem>>
    %dma_start3A_304 = tpu.memref_squeeze %dma_start3A_303 : memref<1x64x128xf32, #tpu.memory_space<vmem>> -> memref<64x128xf32, #tpu.memory_space<vmem>>
    %dma_start3A_305 = arith.constant 0 : i32
    %dma_start3A_306 = tpu.memref_slice %arg4[%add3A_299, %dma_start3A_305] : memref<16384x128xf32, #tpu.memory_space<hbm>> -> memref<64x128xf32, #tpu.memory_space<hbm>>
    %dma_start3A_307 = arith.constant 0 : i32
    %dma_start3A_308 = tpu.memref_slice %arg4[%add3A_299, %dma_start3A_307] : memref<16384x128xf32, #tpu.memory_space<hbm>> -> memref<64x128xf32, #tpu.memory_space<hbm>>
    %dma_start3A_309 = arith.constant 0 : i32
    %dma_start3A_310 = arith.constant 0 : i32
    %dma_start3A_311 = tpu.memref_slice %arg7[%dma_start3A_300, %dma_start3A_309, %dma_start3A_310] : memref<8x64x128xf32, #tpu.memory_space<vmem>> -> memref<1x64x128xf32, #tpu.memory_space<vmem>>
    %dma_start3A_312 = tpu.memref_squeeze %dma_start3A_311 : memref<1x64x128xf32, #tpu.memory_space<vmem>> -> memref<64x128xf32, #tpu.memory_space<vmem>>
    tpu.enqueue_dma source(%dma_start3A_312 : memref<64x128xf32, #tpu.memory_space<vmem>>) target(%dma_start3A_308 : memref<64x128xf32, #tpu.memory_space<hbm>>) target_semaphore(%arg18 : memref<!tpu.dma_semaphore, #tpu.memory_space<semaphore_mem>>)
    %dma_wait3A_313 = arith.constant 2 : i32
    %dma_wait3A_314 = arith.constant 2 : i32
    %dma_wait3A_315 = arith.constant 0 : i32
    %dma_wait3A_316 = arith.constant 0 : i32
    %dma_wait3A_317 = tpu.memref_slice %arg7[%dma_wait3A_314, %dma_wait3A_315, %dma_wait3A_316] : memref<8x64x128xf32, #tpu.memory_space<vmem>> -> memref<1x64x128xf32, #tpu.memory_space<vmem>>
    %dma_wait3A_318 = tpu.memref_squeeze %dma_wait3A_317 : memref<1x64x128xf32, #tpu.memory_space<vmem>> -> memref<64x128xf32, #tpu.memory_space<vmem>>
    %dma_wait3A_319 = arith.constant 0 : i32
    %dma_wait3A_320 = tpu.memref_slice %arg6[%dma_wait3A_313, %dma_wait3A_319] : memref<8x64xi32, #tpu.memory_space<vmem>> -> memref<1x64xi32, #tpu.memory_space<vmem>>
    %dma_wait3A_321 = tpu.memref_squeeze %dma_wait3A_320 : memref<1x64xi32, #tpu.memory_space<vmem>> -> memref<64xi32, #tpu.memory_space<vmem>>
    %dma_wait3A_322 = arith.constant 0 : i32
    %dma_wait3A_323 = arith.constant 0 : i32
    %dma_wait3A_324 = tpu.memref_slice %arg8[%dma_wait3A_322, %dma_wait3A_323] : memref<24x128xf32, #tpu.memory_space<vmem_shared>> -> memref<24x128xf32, #tpu.memory_space<vmem_shared>>
    tpu.wait_indirect_dma semaphore(%arg12 : memref<!tpu.dma_semaphore, #tpu.memory_space<semaphore_mem>>) src(%dma_wait3A_324 : memref<24x128xf32, #tpu.memory_space<vmem_shared>>) dst(%dma_wait3A_318 : memref<64x128xf32, #tpu.memory_space<vmem>>)
    %add3A_325 = arith.constant 128 : i32
    %add3A_326 = arith.addi %mul3A_2, %add3A_325 : i32
    %dma_start3A_327 = arith.constant 2 : i32
    %dma_start3A_328 = arith.constant 0 : i32
    %dma_start3A_329 = arith.constant 0 : i32
    %dma_start3A_330 = tpu.memref_slice %arg7[%dma_start3A_327, %dma_start3A_328, %dma_start3A_329] : memref<8x64x128xf32, #tpu.memory_space<vmem>> -> memref<1x64x128xf32, #tpu.memory_space<vmem>>
    %dma_start3A_331 = tpu.memref_squeeze %dma_start3A_330 : memref<1x64x128xf32, #tpu.memory_space<vmem>> -> memref<64x128xf32, #tpu.memory_space<vmem>>
    %dma_start3A_332 = arith.constant 0 : i32
    %dma_start3A_333 = tpu.memref_slice %arg4[%add3A_326, %dma_start3A_332] : memref<16384x128xf32, #tpu.memory_space<hbm>> -> memref<64x128xf32, #tpu.memory_space<hbm>>
    %dma_start3A_334 = arith.constant 0 : i32
    %dma_start3A_335 = tpu.memref_slice %arg4[%add3A_326, %dma_start3A_334] : memref<16384x128xf32, #tpu.memory_space<hbm>> -> memref<64x128xf32, #tpu.memory_space<hbm>>
    %dma_start3A_336 = arith.constant 0 : i32
    %dma_start3A_337 = arith.constant 0 : i32
    %dma_start3A_338 = tpu.memref_slice %arg7[%dma_start3A_327, %dma_start3A_336, %dma_start3A_337] : memref<8x64x128xf32, #tpu.memory_space<vmem>> -> memref<1x64x128xf32, #tpu.memory_space<vmem>>
    %dma_start3A_339 = tpu.memref_squeeze %dma_start3A_338 : memref<1x64x128xf32, #tpu.memory_space<vmem>> -> memref<64x128xf32, #tpu.memory_space<vmem>>
    tpu.enqueue_dma source(%dma_start3A_339 : memref<64x128xf32, #tpu.memory_space<vmem>>) target(%dma_start3A_335 : memref<64x128xf32, #tpu.memory_space<hbm>>) target_semaphore(%arg18 : memref<!tpu.dma_semaphore, #tpu.memory_space<semaphore_mem>>)
    %dma_wait3A_340 = arith.constant 3 : i32
    %dma_wait3A_341 = arith.constant 3 : i32
    %dma_wait3A_342 = arith.constant 0 : i32
    %dma_wait3A_343 = arith.constant 0 : i32
    %dma_wait3A_344 = tpu.memref_slice %arg7[%dma_wait3A_341, %dma_wait3A_342, %dma_wait3A_343] : memref<8x64x128xf32, #tpu.memory_space<vmem>> -> memref<1x64x128xf32, #tpu.memory_space<vmem>>
    %dma_wait3A_345 = tpu.memref_squeeze %dma_wait3A_344 : memref<1x64x128xf32, #tpu.memory_space<vmem>> -> memref<64x128xf32, #tpu.memory_space<vmem>>
    %dma_wait3A_346 = arith.constant 0 : i32
    %dma_wait3A_347 = tpu.memref_slice %arg6[%dma_wait3A_340, %dma_wait3A_346] : memref<8x64xi32, #tpu.memory_space<vmem>> -> memref<1x64xi32, #tpu.memory_space<vmem>>
    %dma_wait3A_348 = tpu.memref_squeeze %dma_wait3A_347 : memref<1x64xi32, #tpu.memory_space<vmem>> -> memref<64xi32, #tpu.memory_space<vmem>>
    %dma_wait3A_349 = arith.constant 0 : i32
    %dma_wait3A_350 = arith.constant 0 : i32
    %dma_wait3A_351 = tpu.memref_slice %arg8[%dma_wait3A_349, %dma_wait3A_350] : memref<24x128xf32, #tpu.memory_space<vmem_shared>> -> memref<24x128xf32, #tpu.memory_space<vmem_shared>>
    tpu.wait_indirect_dma semaphore(%arg13 : memref<!tpu.dma_semaphore, #tpu.memory_space<semaphore_mem>>) src(%dma_wait3A_351 : memref<24x128xf32, #tpu.memory_space<vmem_shared>>) dst(%dma_wait3A_345 : memref<64x128xf32, #tpu.memory_space<vmem>>)
    %add3A_352 = arith.constant 192 : i32
    %add3A_353 = arith.addi %mul3A_2, %add3A_352 : i32
    %dma_start3A_354 = arith.constant 3 : i32
    %dma_start3A_355 = arith.constant 0 : i32
    %dma_start3A_356 = arith.constant 0 : i32
    %dma_start3A_357 = tpu.memref_slice %arg7[%dma_start3A_354, %dma_start3A_355, %dma_start3A_356] : memref<8x64x128xf32, #tpu.memory_space<vmem>> -> memref<1x64x128xf32, #tpu.memory_space<vmem>>
    %dma_start3A_358 = tpu.memref_squeeze %dma_start3A_357 : memref<1x64x128xf32, #tpu.memory_space<vmem>> -> memref<64x128xf32, #tpu.memory_space<vmem>>
    %dma_start3A_359 = arith.constant 0 : i32
    %dma_start3A_360 = tpu.memref_slice %arg4[%add3A_353, %dma_start3A_359] : memref<16384x128xf32, #tpu.memory_space<hbm>> -> memref<64x128xf32, #tpu.memory_space<hbm>>
    %dma_start3A_361 = arith.constant 0 : i32
    %dma_start3A_362 = tpu.memref_slice %arg4[%add3A_353, %dma_start3A_361] : memref<16384x128xf32, #tpu.memory_space<hbm>> -> memref<64x128xf32, #tpu.memory_space<hbm>>
    %dma_start3A_363 = arith.constant 0 : i32
    %dma_start3A_364 = arith.constant 0 : i32
    %dma_start3A_365 = tpu.memref_slice %arg7[%dma_start3A_354, %dma_start3A_363, %dma_start3A_364] : memref<8x64x128xf32, #tpu.memory_space<vmem>> -> memref<1x64x128xf32, #tpu.memory_space<vmem>>
    %dma_start3A_366 = tpu.memref_squeeze %dma_start3A_365 : memref<1x64x128xf32, #tpu.memory_space<vmem>> -> memref<64x128xf32, #tpu.memory_space<vmem>>
    tpu.enqueue_dma source(%dma_start3A_366 : memref<64x128xf32, #tpu.memory_space<vmem>>) target(%dma_start3A_362 : memref<64x128xf32, #tpu.memory_space<hbm>>) target_semaphore(%arg18 : memref<!tpu.dma_semaphore, #tpu.memory_space<semaphore_mem>>)
    %dma_wait3A_367 = arith.constant 4 : i32
    %dma_wait3A_368 = arith.constant 4 : i32
    %dma_wait3A_369 = arith.constant 0 : i32
    %dma_wait3A_370 = arith.constant 0 : i32
    %dma_wait3A_371 = tpu.memref_slice %arg7[%dma_wait3A_368, %dma_wait3A_369, %dma_wait3A_370] : memref<8x64x128xf32, #tpu.memory_space<vmem>> -> memref<1x64x128xf32, #tpu.memory_space<vmem>>
    %dma_wait3A_372 = tpu.memref_squeeze %dma_wait3A_371 : memref<1x64x128xf32, #tpu.memory_space<vmem>> -> memref<64x128xf32, #tpu.memory_space<vmem>>
    %dma_wait3A_373 = arith.constant 0 : i32
    %dma_wait3A_374 = tpu.memref_slice %arg6[%dma_wait3A_367, %dma_wait3A_373] : memref<8x64xi32, #tpu.memory_space<vmem>> -> memref<1x64xi32, #tpu.memory_space<vmem>>
    %dma_wait3A_375 = tpu.memref_squeeze %dma_wait3A_374 : memref<1x64xi32, #tpu.memory_space<vmem>> -> memref<64xi32, #tpu.memory_space<vmem>>
    %dma_wait3A_376 = arith.constant 0 : i32
    %dma_wait3A_377 = arith.constant 0 : i32
    %dma_wait3A_378 = tpu.memref_slice %arg8[%dma_wait3A_376, %dma_wait3A_377] : memref<24x128xf32, #tpu.memory_space<vmem_shared>> -> memref<24x128xf32, #tpu.memory_space<vmem_shared>>
    tpu.wait_indirect_dma semaphore(%arg14 : memref<!tpu.dma_semaphore, #tpu.memory_space<semaphore_mem>>) src(%dma_wait3A_378 : memref<24x128xf32, #tpu.memory_space<vmem_shared>>) dst(%dma_wait3A_372 : memref<64x128xf32, #tpu.memory_space<vmem>>)
    %add3A_379 = arith.constant 256 : i32
    %add3A_380 = arith.addi %mul3A_2, %add3A_379 : i32
    %dma_start3A_381 = arith.constant 4 : i32
    %dma_start3A_382 = arith.constant 0 : i32
    %dma_start3A_383 = arith.constant 0 : i32
    %dma_start3A_384 = tpu.memref_slice %arg7[%dma_start3A_381, %dma_start3A_382, %dma_start3A_383] : memref<8x64x128xf32, #tpu.memory_space<vmem>> -> memref<1x64x128xf32, #tpu.memory_space<vmem>>
    %dma_start3A_385 = tpu.memref_squeeze %dma_start3A_384 : memref<1x64x128xf32, #tpu.memory_space<vmem>> -> memref<64x128xf32, #tpu.memory_space<vmem>>
    %dma_start3A_386 = arith.constant 0 : i32
    %dma_start3A_387 = tpu.memref_slice %arg4[%add3A_380, %dma_start3A_386] : memref<16384x128xf32, #tpu.memory_space<hbm>> -> memref<64x128xf32, #tpu.memory_space<hbm>>
    %dma_start3A_388 = arith.constant 0 : i32
    %dma_start3A_389 = tpu.memref_slice %arg4[%add3A_380, %dma_start3A_388] : memref<16384x128xf32, #tpu.memory_space<hbm>> -> memref<64x128xf32, #tpu.memory_space<hbm>>
    %dma_start3A_390 = arith.constant 0 : i32
    %dma_start3A_391 = arith.constant 0 : i32
    %dma_start3A_392 = tpu.memref_slice %arg7[%dma_start3A_381, %dma_start3A_390, %dma_start3A_391] : memref<8x64x128xf32, #tpu.memory_space<vmem>> -> memref<1x64x128xf32, #tpu.memory_space<vmem>>
    %dma_start3A_393 = tpu.memref_squeeze %dma_start3A_392 : memref<1x64x128xf32, #tpu.memory_space<vmem>> -> memref<64x128xf32, #tpu.memory_space<vmem>>
    tpu.enqueue_dma source(%dma_start3A_393 : memref<64x128xf32, #tpu.memory_space<vmem>>) target(%dma_start3A_389 : memref<64x128xf32, #tpu.memory_space<hbm>>) target_semaphore(%arg18 : memref<!tpu.dma_semaphore, #tpu.memory_space<semaphore_mem>>)
    %dma_wait3A_394 = arith.constant 5 : i32
    %dma_wait3A_395 = arith.constant 5 : i32
    %dma_wait3A_396 = arith.constant 0 : i32
    %dma_wait3A_397 = arith.constant 0 : i32
    %dma_wait3A_398 = tpu.memref_slice %arg7[%dma_wait3A_395, %dma_wait3A_396, %dma_wait3A_397] : memref<8x64x128xf32, #tpu.memory_space<vmem>> -> memref<1x64x128xf32, #tpu.memory_space<vmem>>
    %dma_wait3A_399 = tpu.memref_squeeze %dma_wait3A_398 : memref<1x64x128xf32, #tpu.memory_space<vmem>> -> memref<64x128xf32, #tpu.memory_space<vmem>>
    %dma_wait3A_400 = arith.constant 0 : i32
    %dma_wait3A_401 = tpu.memref_slice %arg6[%dma_wait3A_394, %dma_wait3A_400] : memref<8x64xi32, #tpu.memory_space<vmem>> -> memref<1x64xi32, #tpu.memory_space<vmem>>
    %dma_wait3A_402 = tpu.memref_squeeze %dma_wait3A_401 : memref<1x64xi32, #tpu.memory_space<vmem>> -> memref<64xi32, #tpu.memory_space<vmem>>
    %dma_wait3A_403 = arith.constant 0 : i32
    %dma_wait3A_404 = arith.constant 0 : i32
    %dma_wait3A_405 = tpu.memref_slice %arg8[%dma_wait3A_403, %dma_wait3A_404] : memref<24x128xf32, #tpu.memory_space<vmem_shared>> -> memref<24x128xf32, #tpu.memory_space<vmem_shared>>
    tpu.wait_indirect_dma semaphore(%arg15 : memref<!tpu.dma_semaphore, #tpu.memory_space<semaphore_mem>>) src(%dma_wait3A_405 : memref<24x128xf32, #tpu.memory_space<vmem_shared>>) dst(%dma_wait3A_399 : memref<64x128xf32, #tpu.memory_space<vmem>>)
    %add3A_406 = arith.constant 320 : i32
    %add3A_407 = arith.addi %mul3A_2, %add3A_406 : i32
    %dma_start3A_408 = arith.constant 5 : i32
    %dma_start3A_409 = arith.constant 0 : i32
    %dma_start3A_410 = arith.constant 0 : i32
    %dma_start3A_411 = tpu.memref_slice %arg7[%dma_start3A_408, %dma_start3A_409, %dma_start3A_410] : memref<8x64x128xf32, #tpu.memory_space<vmem>> -> memref<1x64x128xf32, #tpu.memory_space<vmem>>
    %dma_start3A_412 = tpu.memref_squeeze %dma_start3A_411 : memref<1x64x128xf32, #tpu.memory_space<vmem>> -> memref<64x128xf32, #tpu.memory_space<vmem>>
    %dma_start3A_413 = arith.constant 0 : i32
    %dma_start3A_414 = tpu.memref_slice %arg4[%add3A_407, %dma_start3A_413] : memref<16384x128xf32, #tpu.memory_space<hbm>> -> memref<64x128xf32, #tpu.memory_space<hbm>>
    %dma_start3A_415 = arith.constant 0 : i32
    %dma_start3A_416 = tpu.memref_slice %arg4[%add3A_407, %dma_start3A_415] : memref<16384x128xf32, #tpu.memory_space<hbm>> -> memref<64x128xf32, #tpu.memory_space<hbm>>
    %dma_start3A_417 = arith.constant 0 : i32
    %dma_start3A_418 = arith.constant 0 : i32
    %dma_start3A_419 = tpu.memref_slice %arg7[%dma_start3A_408, %dma_start3A_417, %dma_start3A_418] : memref<8x64x128xf32, #tpu.memory_space<vmem>> -> memref<1x64x128xf32, #tpu.memory_space<vmem>>
    %dma_start3A_420 = tpu.memref_squeeze %dma_start3A_419 : memref<1x64x128xf32, #tpu.memory_space<vmem>> -> memref<64x128xf32, #tpu.memory_space<vmem>>
    tpu.enqueue_dma source(%dma_start3A_420 : memref<64x128xf32, #tpu.memory_space<vmem>>) target(%dma_start3A_416 : memref<64x128xf32, #tpu.memory_space<hbm>>) target_semaphore(%arg18 : memref<!tpu.dma_semaphore, #tpu.memory_space<semaphore_mem>>)
    %dma_wait3A_421 = arith.constant 6 : i32
    %dma_wait3A_422 = arith.constant 6 : i32
    %dma_wait3A_423 = arith.constant 0 : i32
    %dma_wait3A_424 = arith.constant 0 : i32
    %dma_wait3A_425 = tpu.memref_slice %arg7[%dma_wait3A_422, %dma_wait3A_423, %dma_wait3A_424] : memref<8x64x128xf32, #tpu.memory_space<vmem>> -> memref<1x64x128xf32, #tpu.memory_space<vmem>>
    %dma_wait3A_426 = tpu.memref_squeeze %dma_wait3A_425 : memref<1x64x128xf32, #tpu.memory_space<vmem>> -> memref<64x128xf32, #tpu.memory_space<vmem>>
    %dma_wait3A_427 = arith.constant 0 : i32
    %dma_wait3A_428 = tpu.memref_slice %arg6[%dma_wait3A_421, %dma_wait3A_427] : memref<8x64xi32, #tpu.memory_space<vmem>> -> memref<1x64xi32, #tpu.memory_space<vmem>>
    %dma_wait3A_429 = tpu.memref_squeeze %dma_wait3A_428 : memref<1x64xi32, #tpu.memory_space<vmem>> -> memref<64xi32, #tpu.memory_space<vmem>>
    %dma_wait3A_430 = arith.constant 0 : i32
    %dma_wait3A_431 = arith.constant 0 : i32
    %dma_wait3A_432 = tpu.memref_slice %arg8[%dma_wait3A_430, %dma_wait3A_431] : memref<24x128xf32, #tpu.memory_space<vmem_shared>> -> memref<24x128xf32, #tpu.memory_space<vmem_shared>>
    tpu.wait_indirect_dma semaphore(%arg16 : memref<!tpu.dma_semaphore, #tpu.memory_space<semaphore_mem>>) src(%dma_wait3A_432 : memref<24x128xf32, #tpu.memory_space<vmem_shared>>) dst(%dma_wait3A_426 : memref<64x128xf32, #tpu.memory_space<vmem>>)
    %add3A_433 = arith.constant 384 : i32
    %add3A_434 = arith.addi %mul3A_2, %add3A_433 : i32
    %dma_start3A_435 = arith.constant 6 : i32
    %dma_start3A_436 = arith.constant 0 : i32
    %dma_start3A_437 = arith.constant 0 : i32
    %dma_start3A_438 = tpu.memref_slice %arg7[%dma_start3A_435, %dma_start3A_436, %dma_start3A_437] : memref<8x64x128xf32, #tpu.memory_space<vmem>> -> memref<1x64x128xf32, #tpu.memory_space<vmem>>
    %dma_start3A_439 = tpu.memref_squeeze %dma_start3A_438 : memref<1x64x128xf32, #tpu.memory_space<vmem>> -> memref<64x128xf32, #tpu.memory_space<vmem>>
    %dma_start3A_440 = arith.constant 0 : i32
    %dma_start3A_441 = tpu.memref_slice %arg4[%add3A_434, %dma_start3A_440] : memref<16384x128xf32, #tpu.memory_space<hbm>> -> memref<64x128xf32, #tpu.memory_space<hbm>>
    %dma_start3A_442 = arith.constant 0 : i32
    %dma_start3A_443 = tpu.memref_slice %arg4[%add3A_434, %dma_start3A_442] : memref<16384x128xf32, #tpu.memory_space<hbm>> -> memref<64x128xf32, #tpu.memory_space<hbm>>
    %dma_start3A_444 = arith.constant 0 : i32
    %dma_start3A_445 = arith.constant 0 : i32
    %dma_start3A_446 = tpu.memref_slice %arg7[%dma_start3A_435, %dma_start3A_444, %dma_start3A_445] : memref<8x64x128xf32, #tpu.memory_space<vmem>> -> memref<1x64x128xf32, #tpu.memory_space<vmem>>
    %dma_start3A_447 = tpu.memref_squeeze %dma_start3A_446 : memref<1x64x128xf32, #tpu.memory_space<vmem>> -> memref<64x128xf32, #tpu.memory_space<vmem>>
    tpu.enqueue_dma source(%dma_start3A_447 : memref<64x128xf32, #tpu.memory_space<vmem>>) target(%dma_start3A_443 : memref<64x128xf32, #tpu.memory_space<hbm>>) target_semaphore(%arg18 : memref<!tpu.dma_semaphore, #tpu.memory_space<semaphore_mem>>)
    %dma_wait3A_448 = arith.constant 7 : i32
    %dma_wait3A_449 = arith.constant 7 : i32
    %dma_wait3A_450 = arith.constant 0 : i32
    %dma_wait3A_451 = arith.constant 0 : i32
    %dma_wait3A_452 = tpu.memref_slice %arg7[%dma_wait3A_449, %dma_wait3A_450, %dma_wait3A_451] : memref<8x64x128xf32, #tpu.memory_space<vmem>> -> memref<1x64x128xf32, #tpu.memory_space<vmem>>
    %dma_wait3A_453 = tpu.memref_squeeze %dma_wait3A_452 : memref<1x64x128xf32, #tpu.memory_space<vmem>> -> memref<64x128xf32, #tpu.memory_space<vmem>>
    %dma_wait3A_454 = arith.constant 0 : i32
    %dma_wait3A_455 = tpu.memref_slice %arg6[%dma_wait3A_448, %dma_wait3A_454] : memref<8x64xi32, #tpu.memory_space<vmem>> -> memref<1x64xi32, #tpu.memory_space<vmem>>
    %dma_wait3A_456 = tpu.memref_squeeze %dma_wait3A_455 : memref<1x64xi32, #tpu.memory_space<vmem>> -> memref<64xi32, #tpu.memory_space<vmem>>
    %dma_wait3A_457 = arith.constant 0 : i32
    %dma_wait3A_458 = arith.constant 0 : i32
    %dma_wait3A_459 = tpu.memref_slice %arg8[%dma_wait3A_457, %dma_wait3A_458] : memref<24x128xf32, #tpu.memory_space<vmem_shared>> -> memref<24x128xf32, #tpu.memory_space<vmem_shared>>
    tpu.wait_indirect_dma semaphore(%arg17 : memref<!tpu.dma_semaphore, #tpu.memory_space<semaphore_mem>>) src(%dma_wait3A_459 : memref<24x128xf32, #tpu.memory_space<vmem_shared>>) dst(%dma_wait3A_453 : memref<64x128xf32, #tpu.memory_space<vmem>>)
    %add3A_460 = arith.constant 448 : i32
    %add3A_461 = arith.addi %mul3A_2, %add3A_460 : i32
    %dma_start3A_462 = arith.constant 7 : i32
    %dma_start3A_463 = arith.constant 0 : i32
    %dma_start3A_464 = arith.constant 0 : i32
    %dma_start3A_465 = tpu.memref_slice %arg7[%dma_start3A_462, %dma_start3A_463, %dma_start3A_464] : memref<8x64x128xf32, #tpu.memory_space<vmem>> -> memref<1x64x128xf32, #tpu.memory_space<vmem>>
    %dma_start3A_466 = tpu.memref_squeeze %dma_start3A_465 : memref<1x64x128xf32, #tpu.memory_space<vmem>> -> memref<64x128xf32, #tpu.memory_space<vmem>>
    %dma_start3A_467 = arith.constant 0 : i32
    %dma_start3A_468 = tpu.memref_slice %arg4[%add3A_461, %dma_start3A_467] : memref<16384x128xf32, #tpu.memory_space<hbm>> -> memref<64x128xf32, #tpu.memory_space<hbm>>
    %dma_start3A_469 = arith.constant 0 : i32
    %dma_start3A_470 = tpu.memref_slice %arg4[%add3A_461, %dma_start3A_469] : memref<16384x128xf32, #tpu.memory_space<hbm>> -> memref<64x128xf32, #tpu.memory_space<hbm>>
    %dma_start3A_471 = arith.constant 0 : i32
    %dma_start3A_472 = arith.constant 0 : i32
    %dma_start3A_473 = tpu.memref_slice %arg7[%dma_start3A_462, %dma_start3A_471, %dma_start3A_472] : memref<8x64x128xf32, #tpu.memory_space<vmem>> -> memref<1x64x128xf32, #tpu.memory_space<vmem>>
    %dma_start3A_474 = tpu.memref_squeeze %dma_start3A_473 : memref<1x64x128xf32, #tpu.memory_space<vmem>> -> memref<64x128xf32, #tpu.memory_space<vmem>>
    tpu.enqueue_dma source(%dma_start3A_474 : memref<64x128xf32, #tpu.memory_space<vmem>>) target(%dma_start3A_470 : memref<64x128xf32, #tpu.memory_space<hbm>>) target_semaphore(%arg18 : memref<!tpu.dma_semaphore, #tpu.memory_space<semaphore_mem>>)
    %dma_wait3A_475 = arith.constant 0 : i32
    %dma_wait3A_476 = arith.constant 0 : i32
    %dma_wait3A_477 = arith.constant 0 : i32
    %dma_wait3A_478 = tpu.memref_slice %arg7[%dma_wait3A_475, %dma_wait3A_476, %dma_wait3A_477] : memref<8x64x128xf32, #tpu.memory_space<vmem>> -> memref<1x16x128xf32, #tpu.memory_space<vmem>>
    %dma_wait3A_479 = tpu.memref_squeeze %dma_wait3A_478 : memref<1x16x128xf32, #tpu.memory_space<vmem>> -> memref<16x128xf32, #tpu.memory_space<vmem>>
    %dma_wait3A_480 = arith.constant 0 : i32
    %dma_wait3A_481 = tpu.memref_slice %arg4[%add3A_245, %dma_wait3A_480] : memref<16384x128xf32, #tpu.memory_space<hbm>> -> memref<16x128xf32, #tpu.memory_space<hbm>>
    %dma_wait3A_482 = arith.constant 0 : i32
    %dma_wait3A_483 = tpu.memref_slice %arg4[%add3A_245, %dma_wait3A_482] : memref<16384x128xf32, #tpu.memory_space<hbm>> -> memref<16x128xf32, #tpu.memory_space<hbm>>
    %dma_wait3A_484 = arith.constant 0 : i32
    %dma_wait3A_485 = arith.constant 0 : i32
    %dma_wait3A_486 = tpu.memref_slice %arg7[%dma_wait3A_475, %dma_wait3A_484, %dma_wait3A_485] : memref<8x64x128xf32, #tpu.memory_space<vmem>> -> memref<1x16x128xf32, #tpu.memory_space<vmem>>
    %dma_wait3A_487 = tpu.memref_squeeze %dma_wait3A_486 : memref<1x16x128xf32, #tpu.memory_space<vmem>> -> memref<16x128xf32, #tpu.memory_space<vmem>>
    tpu.wait_dma2 semaphore(%arg18 : memref<!tpu.dma_semaphore, #tpu.memory_space<semaphore_mem>>) src(%dma_wait3A_487 : memref<16x128xf32, #tpu.memory_space<vmem>>) dst(%dma_wait3A_483 : memref<16x128xf32, #tpu.memory_space<hbm>>)
    %dma_wait3A_488 = arith.constant 0 : i32
    %dma_wait3A_489 = arith.constant 16 : i32
    %dma_wait3A_490 = arith.constant 0 : i32
    %dma_wait3A_491 = tpu.memref_slice %arg7[%dma_wait3A_488, %dma_wait3A_489, %dma_wait3A_490] : memref<8x64x128xf32, #tpu.memory_space<vmem>> -> memref<1x48x128xf32, #tpu.memory_space<vmem>>
    %dma_wait3A_492 = tpu.memref_squeeze %dma_wait3A_491 : memref<1x48x128xf32, #tpu.memory_space<vmem>> -> memref<48x128xf32, #tpu.memory_space<vmem>>
    %dma_wait3A_493 = arith.constant 0 : i32
    %dma_wait3A_494 = tpu.memref_slice %arg4[%add3A_272, %dma_wait3A_493] : memref<16384x128xf32, #tpu.memory_space<hbm>> -> memref<48x128xf32, #tpu.memory_space<hbm>>
    %dma_wait3A_495 = arith.constant 0 : i32
    %dma_wait3A_496 = tpu.memref_slice %arg4[%add3A_272, %dma_wait3A_495] : memref<16384x128xf32, #tpu.memory_space<hbm>> -> memref<48x128xf32, #tpu.memory_space<hbm>>
    %dma_wait3A_497 = arith.constant 16 : i32
    %dma_wait3A_498 = arith.constant 0 : i32
    %dma_wait3A_499 = tpu.memref_slice %arg7[%dma_wait3A_488, %dma_wait3A_497, %dma_wait3A_498] : memref<8x64x128xf32, #tpu.memory_space<vmem>> -> memref<1x48x128xf32, #tpu.memory_space<vmem>>
    %dma_wait3A_500 = tpu.memref_squeeze %dma_wait3A_499 : memref<1x48x128xf32, #tpu.memory_space<vmem>> -> memref<48x128xf32, #tpu.memory_space<vmem>>
    tpu.wait_dma2 semaphore(%arg18 : memref<!tpu.dma_semaphore, #tpu.memory_space<semaphore_mem>>) src(%dma_wait3A_500 : memref<48x128xf32, #tpu.memory_space<vmem>>) dst(%dma_wait3A_496 : memref<48x128xf32, #tpu.memory_space<hbm>>)
    %dma_wait3A_501 = arith.constant 1 : i32
    %dma_wait3A_502 = arith.constant 0 : i32
    %dma_wait3A_503 = arith.constant 0 : i32
    %dma_wait3A_504 = tpu.memref_slice %arg7[%dma_wait3A_501, %dma_wait3A_502, %dma_wait3A_503] : memref<8x64x128xf32, #tpu.memory_space<vmem>> -> memref<1x64x128xf32, #tpu.memory_space<vmem>>
    %dma_wait3A_505 = tpu.memref_squeeze %dma_wait3A_504 : memref<1x64x128xf32, #tpu.memory_space<vmem>> -> memref<64x128xf32, #tpu.memory_space<vmem>>
    %dma_wait3A_506 = arith.constant 0 : i32
    %dma_wait3A_507 = tpu.memref_slice %arg4[%add3A_299, %dma_wait3A_506] : memref<16384x128xf32, #tpu.memory_space<hbm>> -> memref<64x128xf32, #tpu.memory_space<hbm>>
    %dma_wait3A_508 = arith.constant 0 : i32
    %dma_wait3A_509 = tpu.memref_slice %arg4[%add3A_299, %dma_wait3A_508] : memref<16384x128xf32, #tpu.memory_space<hbm>> -> memref<64x128xf32, #tpu.memory_space<hbm>>
    %dma_wait3A_510 = arith.constant 0 : i32
    %dma_wait3A_511 = arith.constant 0 : i32
    %dma_wait3A_512 = tpu.memref_slice %arg7[%dma_wait3A_501, %dma_wait3A_510, %dma_wait3A_511] : memref<8x64x128xf32, #tpu.memory_space<vmem>> -> memref<1x64x128xf32, #tpu.memory_space<vmem>>
    %dma_wait3A_513 = tpu.memref_squeeze %dma_wait3A_512 : memref<1x64x128xf32, #tpu.memory_space<vmem>> -> memref<64x128xf32, #tpu.memory_space<vmem>>
    tpu.wait_dma2 semaphore(%arg18 : memref<!tpu.dma_semaphore, #tpu.memory_space<semaphore_mem>>) src(%dma_wait3A_513 : memref<64x128xf32, #tpu.memory_space<vmem>>) dst(%dma_wait3A_509 : memref<64x128xf32, #tpu.memory_space<hbm>>)
    %dma_wait3A_514 = arith.constant 2 : i32
    %dma_wait3A_515 = arith.constant 0 : i32
    %dma_wait3A_516 = arith.constant 0 : i32
    %dma_wait3A_517 = tpu.memref_slice %arg7[%dma_wait3A_514, %dma_wait3A_515, %dma_wait3A_516] : memref<8x64x128xf32, #tpu.memory_space<vmem>> -> memref<1x64x128xf32, #tpu.memory_space<vmem>>
    %dma_wait3A_518 = tpu.memref_squeeze %dma_wait3A_517 : memref<1x64x128xf32, #tpu.memory_space<vmem>> -> memref<64x128xf32, #tpu.memory_space<vmem>>
    %dma_wait3A_519 = arith.constant 0 : i32
    %dma_wait3A_520 = tpu.memref_slice %arg4[%add3A_326, %dma_wait3A_519] : memref<16384x128xf32, #tpu.memory_space<hbm>> -> memref<64x128xf32, #tpu.memory_space<hbm>>
    %dma_wait3A_521 = arith.constant 0 : i32
    %dma_wait3A_522 = tpu.memref_slice %arg4[%add3A_326, %dma_wait3A_521] : memref<16384x128xf32, #tpu.memory_space<hbm>> -> memref<64x128xf32, #tpu.memory_space<hbm>>
    %dma_wait3A_523 = arith.constant 0 : i32
    %dma_wait3A_524 = arith.constant 0 : i32
    %dma_wait3A_525 = tpu.memref_slice %arg7[%dma_wait3A_514, %dma_wait3A_523, %dma_wait3A_524] : memref<8x64x128xf32, #tpu.memory_space<vmem>> -> memref<1x64x128xf32, #tpu.memory_space<vmem>>
    %dma_wait3A_526 = tpu.memref_squeeze %dma_wait3A_525 : memref<1x64x128xf32, #tpu.memory_space<vmem>> -> memref<64x128xf32, #tpu.memory_space<vmem>>
    tpu.wait_dma2 semaphore(%arg18 : memref<!tpu.dma_semaphore, #tpu.memory_space<semaphore_mem>>) src(%dma_wait3A_526 : memref<64x128xf32, #tpu.memory_space<vmem>>) dst(%dma_wait3A_522 : memref<64x128xf32, #tpu.memory_space<hbm>>)
    %dma_wait3A_527 = arith.constant 3 : i32
    %dma_wait3A_528 = arith.constant 0 : i32
    %dma_wait3A_529 = arith.constant 0 : i32
    %dma_wait3A_530 = tpu.memref_slice %arg7[%dma_wait3A_527, %dma_wait3A_528, %dma_wait3A_529] : memref<8x64x128xf32, #tpu.memory_space<vmem>> -> memref<1x64x128xf32, #tpu.memory_space<vmem>>
    %dma_wait3A_531 = tpu.memref_squeeze %dma_wait3A_530 : memref<1x64x128xf32, #tpu.memory_space<vmem>> -> memref<64x128xf32, #tpu.memory_space<vmem>>
    %dma_wait3A_532 = arith.constant 0 : i32
    %dma_wait3A_533 = tpu.memref_slice %arg4[%add3A_353, %dma_wait3A_532] : memref<16384x128xf32, #tpu.memory_space<hbm>> -> memref<64x128xf32, #tpu.memory_space<hbm>>
    %dma_wait3A_534 = arith.constant 0 : i32
    %dma_wait3A_535 = tpu.memref_slice %arg4[%add3A_353, %dma_wait3A_534] : memref<16384x128xf32, #tpu.memory_space<hbm>> -> memref<64x128xf32, #tpu.memory_space<hbm>>
    %dma_wait3A_536 = arith.constant 0 : i32
    %dma_wait3A_537 = arith.constant 0 : i32
    %dma_wait3A_538 = tpu.memref_slice %arg7[%dma_wait3A_527, %dma_wait3A_536, %dma_wait3A_537] : memref<8x64x128xf32, #tpu.memory_space<vmem>> -> memref<1x64x128xf32, #tpu.memory_space<vmem>>
    %dma_wait3A_539 = tpu.memref_squeeze %dma_wait3A_538 : memref<1x64x128xf32, #tpu.memory_space<vmem>> -> memref<64x128xf32, #tpu.memory_space<vmem>>
    tpu.wait_dma2 semaphore(%arg18 : memref<!tpu.dma_semaphore, #tpu.memory_space<semaphore_mem>>) src(%dma_wait3A_539 : memref<64x128xf32, #tpu.memory_space<vmem>>) dst(%dma_wait3A_535 : memref<64x128xf32, #tpu.memory_space<hbm>>)
    %dma_wait3A_540 = arith.constant 4 : i32
    %dma_wait3A_541 = arith.constant 0 : i32
    %dma_wait3A_542 = arith.constant 0 : i32
    %dma_wait3A_543 = tpu.memref_slice %arg7[%dma_wait3A_540, %dma_wait3A_541, %dma_wait3A_542] : memref<8x64x128xf32, #tpu.memory_space<vmem>> -> memref<1x64x128xf32, #tpu.memory_space<vmem>>
    %dma_wait3A_544 = tpu.memref_squeeze %dma_wait3A_543 : memref<1x64x128xf32, #tpu.memory_space<vmem>> -> memref<64x128xf32, #tpu.memory_space<vmem>>
    %dma_wait3A_545 = arith.constant 0 : i32
    %dma_wait3A_546 = tpu.memref_slice %arg4[%add3A_380, %dma_wait3A_545] : memref<16384x128xf32, #tpu.memory_space<hbm>> -> memref<64x128xf32, #tpu.memory_space<hbm>>
    %dma_wait3A_547 = arith.constant 0 : i32
    %dma_wait3A_548 = tpu.memref_slice %arg4[%add3A_380, %dma_wait3A_547] : memref<16384x128xf32, #tpu.memory_space<hbm>> -> memref<64x128xf32, #tpu.memory_space<hbm>>
    %dma_wait3A_549 = arith.constant 0 : i32
    %dma_wait3A_550 = arith.constant 0 : i32
    %dma_wait3A_551 = tpu.memref_slice %arg7[%dma_wait3A_540, %dma_wait3A_549, %dma_wait3A_550] : memref<8x64x128xf32, #tpu.memory_space<vmem>> -> memref<1x64x128xf32, #tpu.memory_space<vmem>>
    %dma_wait3A_552 = tpu.memref_squeeze %dma_wait3A_551 : memref<1x64x128xf32, #tpu.memory_space<vmem>> -> memref<64x128xf32, #tpu.memory_space<vmem>>
    tpu.wait_dma2 semaphore(%arg18 : memref<!tpu.dma_semaphore, #tpu.memory_space<semaphore_mem>>) src(%dma_wait3A_552 : memref<64x128xf32, #tpu.memory_space<vmem>>) dst(%dma_wait3A_548 : memref<64x128xf32, #tpu.memory_space<hbm>>)
    %dma_wait3A_553 = arith.constant 5 : i32
    %dma_wait3A_554 = arith.constant 0 : i32
    %dma_wait3A_555 = arith.constant 0 : i32
    %dma_wait3A_556 = tpu.memref_slice %arg7[%dma_wait3A_553, %dma_wait3A_554, %dma_wait3A_555] : memref<8x64x128xf32, #tpu.memory_space<vmem>> -> memref<1x64x128xf32, #tpu.memory_space<vmem>>
    %dma_wait3A_557 = tpu.memref_squeeze %dma_wait3A_556 : memref<1x64x128xf32, #tpu.memory_space<vmem>> -> memref<64x128xf32, #tpu.memory_space<vmem>>
    %dma_wait3A_558 = arith.constant 0 : i32
    %dma_wait3A_559 = tpu.memref_slice %arg4[%add3A_407, %dma_wait3A_558] : memref<16384x128xf32, #tpu.memory_space<hbm>> -> memref<64x128xf32, #tpu.memory_space<hbm>>
    %dma_wait3A_560 = arith.constant 0 : i32
    %dma_wait3A_561 = tpu.memref_slice %arg4[%add3A_407, %dma_wait3A_560] : memref<16384x128xf32, #tpu.memory_space<hbm>> -> memref<64x128xf32, #tpu.memory_space<hbm>>
    %dma_wait3A_562 = arith.constant 0 : i32
    %dma_wait3A_563 = arith.constant 0 : i32
    %dma_wait3A_564 = tpu.memref_slice %arg7[%dma_wait3A_553, %dma_wait3A_562, %dma_wait3A_563] : memref<8x64x128xf32, #tpu.memory_space<vmem>> -> memref<1x64x128xf32, #tpu.memory_space<vmem>>
    %dma_wait3A_565 = tpu.memref_squeeze %dma_wait3A_564 : memref<1x64x128xf32, #tpu.memory_space<vmem>> -> memref<64x128xf32, #tpu.memory_space<vmem>>
    tpu.wait_dma2 semaphore(%arg18 : memref<!tpu.dma_semaphore, #tpu.memory_space<semaphore_mem>>) src(%dma_wait3A_565 : memref<64x128xf32, #tpu.memory_space<vmem>>) dst(%dma_wait3A_561 : memref<64x128xf32, #tpu.memory_space<hbm>>)
    %dma_wait3A_566 = arith.constant 6 : i32
    %dma_wait3A_567 = arith.constant 0 : i32
    %dma_wait3A_568 = arith.constant 0 : i32
    %dma_wait3A_569 = tpu.memref_slice %arg7[%dma_wait3A_566, %dma_wait3A_567, %dma_wait3A_568] : memref<8x64x128xf32, #tpu.memory_space<vmem>> -> memref<1x64x128xf32, #tpu.memory_space<vmem>>
    %dma_wait3A_570 = tpu.memref_squeeze %dma_wait3A_569 : memref<1x64x128xf32, #tpu.memory_space<vmem>> -> memref<64x128xf32, #tpu.memory_space<vmem>>
    %dma_wait3A_571 = arith.constant 0 : i32
    %dma_wait3A_572 = tpu.memref_slice %arg4[%add3A_434, %dma_wait3A_571] : memref<16384x128xf32, #tpu.memory_space<hbm>> -> memref<64x128xf32, #tpu.memory_space<hbm>>
    %dma_wait3A_573 = arith.constant 0 : i32
    %dma_wait3A_574 = tpu.memref_slice %arg4[%add3A_434, %dma_wait3A_573] : memref<16384x128xf32, #tpu.memory_space<hbm>> -> memref<64x128xf32, #tpu.memory_space<hbm>>
    %dma_wait3A_575 = arith.constant 0 : i32
    %dma_wait3A_576 = arith.constant 0 : i32
    %dma_wait3A_577 = tpu.memref_slice %arg7[%dma_wait3A_566, %dma_wait3A_575, %dma_wait3A_576] : memref<8x64x128xf32, #tpu.memory_space<vmem>> -> memref<1x64x128xf32, #tpu.memory_space<vmem>>
    %dma_wait3A_578 = tpu.memref_squeeze %dma_wait3A_577 : memref<1x64x128xf32, #tpu.memory_space<vmem>> -> memref<64x128xf32, #tpu.memory_space<vmem>>
    tpu.wait_dma2 semaphore(%arg18 : memref<!tpu.dma_semaphore, #tpu.memory_space<semaphore_mem>>) src(%dma_wait3A_578 : memref<64x128xf32, #tpu.memory_space<vmem>>) dst(%dma_wait3A_574 : memref<64x128xf32, #tpu.memory_space<hbm>>)
    %dma_wait3A_579 = arith.constant 7 : i32
    %dma_wait3A_580 = arith.constant 0 : i32
    %dma_wait3A_581 = arith.constant 0 : i32
    %dma_wait3A_582 = tpu.memref_slice %arg7[%dma_wait3A_579, %dma_wait3A_580, %dma_wait3A_581] : memref<8x64x128xf32, #tpu.memory_space<vmem>> -> memref<1x64x128xf32, #tpu.memory_space<vmem>>
    %dma_wait3A_583 = tpu.memref_squeeze %dma_wait3A_582 : memref<1x64x128xf32, #tpu.memory_space<vmem>> -> memref<64x128xf32, #tpu.memory_space<vmem>>
    %dma_wait3A_584 = arith.constant 0 : i32
    %dma_wait3A_585 = tpu.memref_slice %arg4[%add3A_461, %dma_wait3A_584] : memref<16384x128xf32, #tpu.memory_space<hbm>> -> memref<64x128xf32, #tpu.memory_space<hbm>>
    %dma_wait3A_586 = arith.constant 0 : i32
    %dma_wait3A_587 = tpu.memref_slice %arg4[%add3A_461, %dma_wait3A_586] : memref<16384x128xf32, #tpu.memory_space<hbm>> -> memref<64x128xf32, #tpu.memory_space<hbm>>
    %dma_wait3A_588 = arith.constant 0 : i32
    %dma_wait3A_589 = arith.constant 0 : i32
    %dma_wait3A_590 = tpu.memref_slice %arg7[%dma_wait3A_579, %dma_wait3A_588, %dma_wait3A_589] : memref<8x64x128xf32, #tpu.memory_space<vmem>> -> memref<1x64x128xf32, #tpu.memory_space<vmem>>
    %dma_wait3A_591 = tpu.memref_squeeze %dma_wait3A_590 : memref<1x64x128xf32, #tpu.memory_space<vmem>> -> memref<64x128xf32, #tpu.memory_space<vmem>>
    tpu.wait_dma2 semaphore(%arg18 : memref<!tpu.dma_semaphore, #tpu.memory_space<semaphore_mem>>) src(%dma_wait3A_591 : memref<64x128xf32, #tpu.memory_space<vmem>>) dst(%dma_wait3A_587 : memref<64x128xf32, #tpu.memory_space<hbm>>)
    return
  }
}

</mosaic_0001>

<sc_bundles>
// kernel: kernel.3.cloned.1.call-start
scs
__scs_entry_jumppad:
0x0: {  	(pc) =	sbr.rel $0x88, $3  }
0x1: {  	(tag) =	ssettag $0x0;
	lr =	simm.s32 $0x1  }
0x2: {  	[smem:$0x3F9F] =	sst lr;
	_ =	strace $0xD0000000  }
0x3: {  	_ = 	snop  }
0x4: {  	_ = 	snop  }
0x5: {  	_ = 	snop  }
0x6: {  	_ = 	snop  }
0x7: {  	_ = 	snop  }
__scs_overlays_trampoline_lowered:
0x8: {  	[smem:$0x3FAE] =	sst s0  }
0x9: {  	[smem:$0x3FAF] =	sst s1  }
0xa: {  	[smem:$0x3FB0] =	sst s2  }
0xb: {  	[smem:$0x3FB1] =	sst s3  }
0xc: {  	[smem:$0x3FB2] =	sst s4  }
0xd: {  	[smem:$0x3FB3] =	sst s5  }
0xe: {  	[smem:$0x3FB4] =	sst s6  }
0xf: {  	[smem:$0x3FB5] =	sst s7  }
0x10: {  	[smem:$0x3FB6] =	sst s8  }
0x11: {  	[smem:$0x3FB7] =	sst s9;
	s0 =	simm.s32 @!p0 $0x0  }
0x12: {  	s1 =	sld [smem:$0x3F9D];
	s0 =	simm.s32 @p0 $0x1  }
0x13: {  	[smem:$0x3FB8] =	sst s0;
	s0 =	simm.s32 @!p1 $0x0  }
0x14: {  	s2 =	sld [smem:$0x3F9C];
	s0 =	simm.s32 @p1 $0x1  }
0x15: {  	[smem:$0x3FB9] =	sst s0;
	s0 =	simm.s32 @!p2 $0x0  }
0x16: {  	s3 =	sld [smem:$0x3FDB];
	s0 =	simm.s32 @p2 $0x1  }
0x17: {  	s4 =	simm.s32 $0x1BF5;
	[smem:$0x3FBB] =	sst s0  }
0x18: {  	s0 =	sld [smem:$0x3F9E];
	_ =	swait.ge [sflag:s4], $0x0  }
0x19: {  	s7 =	sld [smem:$0x3F9F]  }
0x1a: {  	s8 =	sadd.s32 $0xFFFFE003, lr  }
0x1b: {  	s9 =	sadd.s32 $0xFFFFFEF7, lr;
	s5 =	simm.s32 $0xFFFFFFFF;
	p2 =	slt.u32 s8, $0xFFFFF086  }
0x1c: {  	p1 =	slt.u32 s9, $0xF7A;
	s5 =	simm.s32 @!p2 $0x0  }
0x1d: {  	s5 =	simm.s32 @p1 $0x1;
	p0 =	seq.s32 s7, s2  }
0x1e: {  	s7 =	smul.u32 @!p0 $0xF7A, s2;
	p2 =	seq.s32 @!p0 s5, $0x0  }
0x1f: {  	s9 =	smul.u32 $0xF7A, s1;
	s8 =	simm.s32 @!p0 $0x1BF5;
	p2 =	por !p2, p0  }
0x20: {  	[sflag:s8] =	ssyncset.s32 @!p0 $0xFFFFF086;
	s6 =	sadd.s32 @!p0 s3, s7;
	s7 =	simm.s32 @!p0 $0x108  }
0x21: {  	s3 =	sadd.s32 s3, s9;
	s6 =	sadd.s32 @!p0 $0x88, s6;
	s7 =	simm.s32 @p2 $0x1082  }
0x22: {  	[simem:s7], [sflag:s8] =	dma.local @!p0 [hbm:s6], $0xF7A  }
0x23: {  	s9 =	sor.u32 $0xD0000000, s2;
	s6 =	simm.s32 $0x108;
	_ =	swait.ge @!p0 [sflag:s8], $0x0  }
0x24: {  	s3 =	sadd.s32 $0x88, s3;
	s6 =	simm.s32 @!p1 $0x1082;
	[sflag:s4] =	ssyncset.s32 $0xFFFFF086  }
0x25: {  	[simem:s6], [sflag:s4] =	dma.local [hbm:s3], $0xF7A  }
0x26: {  	[smem:$0x3F9F] =	sst s1;
	(tag) =	ssettag s2;
	_ =	strace s9  }
0x27: {  	s1 =	sld [smem:$0x3FAF]  }
0x28: {  	s2 =	sld [smem:$0x3FB0]  }
0x29: {  	s4 =	sld [smem:$0x3FB2]  }
0x2a: {  	p0 =	seq.s32 s5, $0x0;
	s5 =	sld [smem:$0x3FB3]  }
0x2b: {  	s6 =	sld [smem:$0x3FB4]  }
0x2c: {  	s7 =	sld [smem:$0x3FB5]  }
0x2d: {  	s3 =	simm.s32 $0x108;
	s8 =	sld [smem:$0x3FB6]  }
0x2e: {  	s3 =	simm.s32 @!p0 $0x1082;
	s9 =	sld [smem:$0x3FB7]  }
0x2f: {  	lr =	sadd.s32 s0, s3;
	s0 =	sld [smem:$0x3FAE]  }
0x30: {  	s3 =	sld [smem:$0x3FB1]  }
0x31: {  	[smem:$0x3FBA] =	sst s10  }
0x32: {  	s10 =	sld [smem:$0x3FB8];
	_ =	sdelay $0x3  }
0x33: {  	p0 =	seq.s32 s10, $0x1;
	s10 =	sld [smem:$0x3FBA];
	_ =	sdelay $0x3  }
0x34: {  	[smem:$0x3FBA] =	sst s10  }
0x35: {  	s10 =	sld [smem:$0x3FB9];
	_ =	sdelay $0x3  }
0x36: {  	p1 =	seq.s32 s10, $0x1;
	s10 =	sld [smem:$0x3FBA];
	_ =	sdelay $0x3  }
0x37: {  	[smem:$0x3FBA] =	sst s10  }
0x38: {  	s10 =	sld [smem:$0x3FBB]  }
0x39: {  	_ = 	snop;
	(pc) =	sbr.ind lr, $3  }
0x3a: {  	_ = 	snop  }
0x3b: {  	_ = 	snop  }
0x3c: {  	p2 =	seq.s32 s10, $0x1;
	s10 =	sld [smem:$0x3FBA]  }
0x3d: {  	_ =	shalt  }
0x3e: {  	_ =	shalt  }
0x3f: {  	_ =	shalt  }
0x40: {  	_ =	shalt  }
0x41: {  	_ =	shalt  }
0x42: {  	_ =	shalt  }
0x43: {  	_ =	shalt  }
0x44: {  	_ =	shalt  }
0x45: {  	_ =	shalt  }
0x46: {  	_ =	shalt  }
0x47: {  	_ =	shalt  }
0x48: {  	_ =	shalt  }
0x49: {  	_ =	shalt  }
0x4a: {  	_ =	shalt  }
0x4b: {  	_ =	shalt  }
0x4c: {  	_ =	shalt  }
0x4d: {  	_ =	shalt  }
0x4e: {  	_ =	shalt  }
0x4f: {  	_ =	shalt  }
0x50: {  	_ =	shalt  }
0x51: {  	_ =	shalt  }
0x52: {  	_ =	shalt  }
0x53: {  	_ =	shalt  }
0x54: {  	_ =	shalt  }
0x55: {  	_ =	shalt  }
0x56: {  	_ =	shalt  }
0x57: {  	_ =	shalt  }
0x58: {  	_ =	shalt  }
0x59: {  	_ =	shalt  }
0x5a: {  	_ =	shalt  }
0x5b: {  	_ =	shalt  }
0x5c: {  	_ =	shalt  }
0x5d: {  	_ =	shalt  }
0x5e: {  	_ =	shalt  }
0x5f: {  	_ =	shalt  }
0x60: {  	_ =	shalt  }
0x61: {  	_ =	shalt  }
0x62: {  	_ =	shalt  }
0x63: {  	_ =	shalt  }
0x64: {  	_ =	shalt  }
0x65: {  	_ =	shalt  }
0x66: {  	_ =	shalt  }
0x67: {  	_ =	shalt  }
0x68: {  	_ =	shalt  }
0x69: {  	_ =	shalt  }
0x6a: {  	_ =	shalt  }
0x6b: {  	_ =	shalt  }
0x6c: {  	_ =	shalt  }
0x6d: {  	_ =	shalt  }
0x6e: {  	_ =	shalt  }
0x6f: {  	_ =	shalt  }
0x70: {  	_ =	shalt  }
0x71: {  	_ =	shalt  }
0x72: {  	_ =	shalt  }
0x73: {  	_ =	shalt  }
0x74: {  	_ =	shalt  }
0x75: {  	_ =	shalt  }
0x76: {  	_ =	shalt  }
0x77: {  	_ =	shalt  }
0x78: {  	_ =	shalt  }
0x79: {  	_ =	shalt  }
0x7a: {  	_ =	shalt  }
0x7b: {  	_ =	shalt  }
0x7c: {  	_ =	shalt  }
0x7d: {  	_ =	shalt  }
0x7e: {  	_ =	shalt  }
0x7f: {  	_ =	shalt  }
0x80: {  	_ =	shalt  }
0x81: {  	_ =	shalt  }
0x82: {  	_ =	shalt  }
0x83: {  	_ =	shalt  }
0x84: {  	_ =	shalt  }
0x85: {  	_ =	shalt  }
0x86: {  	_ =	shalt  }
0x87: {  	_ =	shalt  }
.Lfunc_end0:
.L_simem_size_0:
called_computation_lowered:
.L_overlay_start_0:
0x88: {  	s2 =	sld [smem:$0x3FD9]  }
0x89: {  	s3 =	sld [smem:$0x3FFE];
	_ =	sdelay $0x1  }
0x8a: {  	s1 =	srdreg.scid  }
0x8b: {  	s0 =	sand.u32 $0x1, s1  }
0x8c: {  	s18 =	sshll.u32 s0, $0xA;
	s2 =	sadd.s32 s3, s2  }
0x8d: {  	s2 =	sadd.s32 s2, s18  }
0x8e: {  	[smem:$0x3FC6] =	sst s2  }
0x8f: {  	_ = 	snop  }
0x90: {  	s2 =	sld [smem:$0x3FC9]  }
0x91: {  	s19 =	sld [smem:$0x3FC8]  }
0x92: {  	s4 =	sld [smem:$0x3FD0];
	(tm) =	ssettm $0x1  }
0x93: {  	s5 =	sld [smem:$0x3FFB];
	_ =	sdelay $0x3  }
0x94: {  	_ =	strace s5  }
0x95: {  	s5 =	sld [smem:$0x3FFC];
	_ =	sdelay $0x3  }
0x96: {  	_ =	strace s5  }
0x97: {  	s5 =	sld [smem:$0x3FFD];
	_ =	sdelay $0x3  }
0x98: {  	_ =	strace s5  }
0x99: {  	_ =	strace $0x8FFFFFFF  }
0x9a: {  	s20 =	sld [smem:$0x3FDB];
	_ =	sdelay $0x1  }
0x9b: {  	s6 =	simm.s32 $_scs_section_size  }
0x9c: {  	s7 =	simm.s32 $_size__tile_overlayer_lowered;
	s8 =	simm.s32 $_tile_overlayer_lowered  }
0x9d: {  	s23 =	simm.s32 $0x1BFF;
	s22 =	sshll.u32 s8, $0x1;
	s5 =	sadd.s32 s6, s20  }
0x9e: {  	s9 =	simm.s32 $0x0;
	s21 =	sshll.u32 s7, $0x1;
	s7 =	sadd.s32 s22, s5  }
0x9f: {  	[timem:s9], [sflag:s23] =	dma.local [hbm:s7], s21  }
0xa0: {  	_ =	swait.ge [sflag:s23], s21  }
0xa1: {  	s6 =	ssub.s32 $0x0, s21;
	[sflag:s23] =	ssyncset.done $0x0  }
0xa2: {  	[sflag:s23] =	ssyncadd.s32 s6;
	_ =	sdelay $0x1  }
0xa3: {  	s24 =	simm.s32 $0x1B8B  }
0xa4: {  	_ =	swait.ge [sflag:s24], $0x1  }
0xa5: {  	[sflag:s24] =	ssyncset.done $0x0  }
0xa6: {  	s25 =	simm.s32 $0x1B8E;
	[sflag:s24] =	ssyncadd.s32 $0xFFFFFFFF  }
0xa7: {  	s26 =	simm.s32 $execute0_lowered;
	[smem:$0x3FD2] =	sst s25  }
0xa8: {  	s6 =	sshll.u32 s26, $0x1;
	_ =	strace $0x80000046;
	[dreg:$0x1] =	wrdreg $0xFFFFFFFF  }
0xa9: {  	s28 =	simm.s32 $_size_execute0_lowered;
	s5 =	sadd.s32 s5, s6;
	[dreg:$0x0] =	wrdreg $0x0  }
0xaa: {  	s6 =	sshll.u32 s28, $0x1;
	[dreg:$0x2] =	wrdreg s5  }
0xab: {  	[dreg:$0x3] =	wrdreg s6  }
0xac: {  	[dreg:$0x4] =	wrdreg $0xC0  }
0xad: {  	_ =	task [dreg:s9], $0x5FFFF  }
0xae: {  	[dreg:$0x1] =	wrdreg $0xFFFFFFFF  }
0xaf: {  	[dreg:$0x0] =	wrdreg $0x60  }
0xb0: {  	[dreg:$0x2] =	wrdreg s2  }
0xb1: {  	[dreg:$0x3] =	wrdreg s19  }
0xb2: {  	[dreg:$0x4] =	wrdreg s4  }
0xb3: {  	[dreg:$0x5] =	wrdreg $0x106000  }
0xb4: {  	[dreg:$0x6] =	wrdreg $0x9  }
0xb5: {  	_ =	task.clear_ibuf [dreg:s9], $0x7FFFF;
	_ =	strace $0x90000046  }
0xb6: {  	s29 =	simm.s32 $0x9;
	_ =	strace $0x80000048  }
0xb7: {  	_ =	swait.ge [sflag:s29], $0x1  }
0xb8: {  	[sflag:s29] =	ssyncadd.s32 $0xFFFFFFFF  }
0xb9: {  	_ =	strace $0x90000048  }
0xba: {  	_ =	sfence  }
0xbb: {  	s30 =	sld [smem:$0x0];
	_ =	sdelay $0x2  }
0xbc: {  	s31 =	sshll.u32 s1, $0xD;
	s1 =	sshrl.u32 s1, $0x2  }
0xbd: {  	s3 =	sand.u32 $0x4000, s31;
	s1 =	sadd.s32 s1, s30  }
0xbe: {  	s0 =	sor.u32 s3, s0;
	s1 =	sshll.u32 s1, $0x11  }
0xbf: {  	s0 =	sor.u32 s1, s0  }
0xc0: {  	s0 =	sadd.s32 $0x8F2B, s0  }
0xc1: {  	[sflag:s0] =	ssyncadd.remote.s32 $0x1  }
0xc2: {  	_ =	sfence.sel $0xFFFF  }
0xc3: {  	[dreg:$0x0] =	wrdreg $0xFFFFFFFF;
	(pc) =	sbr.abs _section_cstart, $3  }
0xc4: {  	[dreg:$0x1] =	wrdreg $0xFFFFFFFF  }
0xc5: {  	_ =	task.clear_ibuf [dreg:s9], $0x2FFFF;
	_ =	strace $0x9FFFFFFF  }
0xc6: {  	(tm) =	ssettm $0x7FFFFFFF  }
0xc7: {  	_ =	shalt  }
tec
execute0_lowered:
.L_overlay_start_1:
0x0: {  	(tag) =	ssettag $0x1  }
0x1: {  	s3 =	rddreg [dreg:$0x0]  }
0x2: {  	s0 =	rddreg [dreg:$0x1]  }
0x3: {  	s4 =	rddreg [dreg:$0x2]  }
0x4: {  	s1 =	rddreg [dreg:$0x3]  }
0x5: {  	s2 =	srdreg.scid;
	s5 =	stileid.u32  }
0x6: {  	s25 =	simm.s32 $0x10;
	s26 =	simm.s32 $0x200;
	s28 =	simm.s32 $0x30  }
0x7: {  	s29 =	simm.s32 $0x210;
	s30 =	simm.s32 $0x280;
	[dreg:$0x5] =	wrdreg s0  }
0x8: {  	s0 =	rddreg [dreg:$0x4];
	s6 =	sand.u32 $0x1, s2;
	s2 =	simm.s32 $0x0  }
0x9: {  	s31 =	simm.s32 $0x300;
	s10 =	simm.s32 $0x380;
	[smem:$0x7FF] =	sst s2  }
0xa: {  	s11 =	simm.s32 $0x400;
	_ =	strace $0x80000047;
	[dreg:$0x11] =	wrdreg s25  }
0xb: {  	s12 =	simm.s32 $0x480;
	s13 =	simm.s32 $0x500;
	[dreg:$0x12] =	wrdreg s26  }
0xc: {  	s14 =	simm.s32 $0x580;
	s15 =	simm.s32 $0xE600;
	[dreg:$0x13] =	wrdreg s28  }
0xd: {  	s7 =	sshll.u32 s5, $0xA;
	p0 =	sne.s32 s5, $0x0;
	[dreg:$0x14] =	wrdreg s29  }
0xe: {  	s8 =	sshll.u32 s6, $0x9;
	s9 =	sshll.u32 s6, $0x6;
	[dreg:$0x15] =	wrdreg s30  }
0xf: {  	s24 =	ssub.s32 $0x2, s6;
	s7 =	sor.u32 s8, s7;
	[dreg:$0x16] =	wrdreg s31  }
0x10: {  	s16 =	sadd.s32 s3, s9;
	s6 =	sshrl.u32 s24, $0x1;
	[dreg:$0x17] =	wrdreg s10  }
0x11: {  	s9 =	simm.s32 $0x4600;
	s10 =	simm.s32 $0x6600;
	[dreg:$0x18] =	wrdreg s11  }
0x12: {  	s11 =	simm.s32 $0x8600;
	[dreg:$0x19] =	wrdreg s12;
	s12 =	simm.s32 $0xA600  }
0x13: {  	[dreg:$0x1a] =	wrdreg s13;
	s8 =	sshrl.u32 s7, $0x3;
	s7 =	sshll.u32 s7, $0x4  }
0x14: {  	[dreg:$0x7] =	wrdreg s16;
	s8 =	sadd.s32 s3, s8;
	s3 =	sadd.s32 s4, s7  }
0x15: {  	s13 =	simm.s32 $0xC600;
	[dreg:$0x6] =	wrdreg s8;
	s4 =	sadd.s32 $0x100, s3  }
0x16: {  	s25 =	simm.s32 $0xA;
	s17 =	sadd.s32 $0x400, s3;
	[dreg:$0x8] =	wrdreg s4  }
0x17: {  	s5 =	ssub.s32 s24, s6;
	s18 =	sadd.s32 $0x800, s3;
	[dreg:$0x9] =	wrdreg s17  }
0x18: {  	s6 =	simm.s32 $0xE00;
	s19 =	sadd.s32 $0xC00, s3;
	[dreg:$0xa] =	wrdreg s18  }
0x19: {  	s16 =	simm.s32 $0x1;
	s20 =	sadd.s32 $0x1000, s3;
	[dreg:$0xb] =	wrdreg s19  }
0x1a: {  	s24 =	simm.s32 $0x9;
	s21 =	sadd.s32 $0x1400, s3;
	[dreg:$0xc] =	wrdreg s20  }
0x1b: {  	s7 =	simm.s32 $0x40;
	s22 =	sadd.s32 $0x1800, s3;
	[dreg:$0xd] =	wrdreg s21  }
0x1c: {  	s23 =	sadd.s32 $0x1C00, s3;
	s8 =	simm.s32 $0x2600;
	[dreg:$0xe] =	wrdreg s22  }
0x1d: {  	[dreg:$0xf] =	wrdreg s23;
	s4 =	sshrl.u32 @!p0 s1, $0x3;
	s17 =	simm.s32 $0x2  }
0x1e: {  	s18 =	simm.s32 $0x3;
	s19 =	simm.s32 $0x4;
	s20 =	simm.s32 $0x5  }
0x1f: {  	s21 =	simm.s32 $0x6;
	s22 =	simm.s32 $0x7;
	s23 =	simm.s32 $0x8  }
0x20: {  	v0 =	vimm.s32 $0x0;
	[dreg:$0x10] =	wrdreg s4;
	s4 =	smax.u32 s5, $0x1;
	s5 =	simm.s32 $0x600  }
.LBB2_1:
0x21: {  	s26 =	rddreg [dreg:$0x6];
	s28 =	simm.s32 @p0 $0x0  }
0x22: {  	[tilespmem:s28], [sflag:$0xC] =	stream.linear.gather @p0 [hbm4b:s26+s28], $0x200, $0x38;
	[tilespmem:$0x106C0] =	vst v63  }
0x23: {  	s26 =	simm.s32 @p0 $0xC  }
0x24: {  	_ =	swait.ge @p0 [sflag:s26], $0x200  }
0x25: {  	s28 =	rddreg [dreg:$0x5];
	[sflag:s26] =	ssyncset.done @p0 $0x0  }
0x26: {  	s29 =	rddreg [dreg:$0x10];
	[sflag:s26] =	ssyncadd.s32 @p0 $0xFFFFFE00;
	s26 =	simm.s32 @!p0 $0x1C0B  }
0x27: {  	[spmem:s29], [sflag:s26] =	dma.local @!p0 [hbm:s28], $0x180  }
0x28: {  	s28 =	simm.s32 @!p0 $0x0;
	s26 =	rddreg [dreg:$0x7]  }
0x29: {  	[tilespmem:s28], [sflag:$0xC] =	stream.linear.gather @!p0 [hbm4b:s26+s28], $0x200, $0x38;
	[tilespmem:$0x106C0] =	vst v63  }
0x2a: {  	s26 =	simm.s32 @!p0 $0xC  }
0x2b: {  	_ =	swait.ge @!p0 [sflag:s26], $0x200  }
0x2c: {  	[sflag:s26] =	ssyncset.done @!p0 $0x0  }
0x2d: {  	[sflag:s26] =	ssyncadd.s32 @!p0 $0xFFFFFE00;
	s26 =	simm.s32 @!p0 $0xB  }
0x2e: {  	_ =	swait.ge @!p0 [sflag:s26], $0x180  }
0x2f: {  	[sflag:s26] =	ssyncset.done @!p0 $0x0  }
0x30: {  	[sflag:s26] =	ssyncadd.s32 @!p0 $0xFFFFFE80  }
0x31: {  	v1 =	vld [tilespmem:$0x0];
	_ =	sdelay $0x4  }
0x32: {  	v2 =	vshrl.u32 v1, $0x7  }
0x33: {  	v2 =	vcvt.s32.f32 v2;
	_ =	sdelay $0x1  }
0x34: {  	v2 =	vmul.f32 $1.481481480e-03, v2;
	_ =	sdelay $0x1  }
0x35: {  	v2 =	vtrunc.f32 v2  }
0x36: {  	v2 =	vcvt.f32.s32 v2;
	_ =	sdelay $0x1  }
0x37: {  	v2 =	vmul.u32 $0xFFFEAE80, v2;
	_ =	sdelay $0x1  }
0x38: {  	v1 =	vadd.s32 v1, v2  }
0x39: {  	vm0 =	vlt.s32 v1, $0x0;
	v2 =	vadd.s32 $0x15180, v1  }
0x3a: {  	v1 =	vsel vm0, v2, v1  }
0x3b: {  	vm0 =	vgt.s32 v1, $0x1517F;
	v2 =	vadd.s32 $0xFFFEAE80, v1  }
0x3c: {  	v1 =	vsel vm0, v2, v1  }
0x3d: {  	v2 =	vcvt.s32.f32 v1;
	_ =	sdelay $0x1  }
0x3e: {  	v2 =	vmul.f32 $2.777777850e-04, v2;
	_ =	sdelay $0x1  }
0x3f: {  	v2 =	vtrunc.f32 v2  }
0x40: {  	v2 =	vcvt.f32.s32 v2;
	_ =	sdelay $0x1  }
0x41: {  	v3 =	vmul.u32 $0xFFFFF1F0, v2;
	_ =	sdelay $0x1  }
0x42: {  	v1 =	vadd.s32 v1, v3  }
0x43: {  	vm5 =	vlt.s32 v1, $0x0;
	v3 =	vadd.s32 $0xE10, v1  }
0x44: {  	v3 =	vsel vm5, v3, v1  }
0x45: {  	v1 =	vshra.s32 v1, $0x1F;
	vm0 =	vgt.s32 v3, $0xE0F  }
0x46: {  	v1 =	vadd.s32 v2, v1;
	v2 =	vsel vm0, $0x1, v0  }
0x47: {  	v1 =	vadd.s32 v2, v1  }
0x48: {  	[tilespmem:$0x200] =	vst v1  }
0x49: {  	[bflag:$0x0] =	sbarrier.arrive $0xFFFF  }
0x4a: {  	s29 =	rddreg [dreg:$0x11]  }
0x4b: {  	s30 =	rddreg [dreg:$0x12]  }
0x4c: {  	[tilespmem:s5], [sflag:$0x1] =	stream.indirect.gather [spmem:s1], $0x80, s30, s29, $0xb8;
	[tilespmem:$0x106C0] =	vst v63  }
0x4d: {  	v1 =	vld [tilespmem:$0x10];
	_ =	sdelay $0x4  }
0x4e: {  	v2 =	vshrl.u32 v1, $0x7  }
0x4f: {  	v2 =	vcvt.s32.f32 v2;
	_ =	sdelay $0x1  }
0x50: {  	v4 =	vld [tilespmem:$0x30];
	v2 =	vmul.f32 $1.481481480e-03, v2  }
0x51: {  	v3 =	vld [tilespmem:$0x20]  }
0x52: {  	v2 =	vtrunc.f32 v2  }
0x53: {  	v2 =	vcvt.f32.s32 v2;
	_ =	sdelay $0x1  }
0x54: {  	v6 =	vshrl.u32 v4, $0x7;
	v2 =	vmul.u32 $0xFFFEAE80, v2  }
0x55: {  	v5 =	vshrl.u32 v3, $0x7;
	v12 =	vcvt.s32.f32 v6  }
0x56: {  	v1 =	vadd.s32 v1, v2;
	v2 =	vcvt.s32.f32 v5  }
0x57: {  	v5 =	vmul.f32 $1.481481480e-03, v12;
	vm6 =	vlt.s32 v1, $0x0;
	v11 =	vadd.s32 $0x15180, v1  }
0x58: {  	v2 =	vmul.f32 $1.481481480e-03, v2;
	v1 =	vsel vm6, v11, v1  }
0x59: {  	v5 =	vtrunc.f32 v5;
	vm0 =	vgt.s32 v1, $0x1517F  }
0x5a: {  	v13 =	vadd.s32 $0xFFFEAE80, v1;
	v5 =	vcvt.f32.s32 v5;
	v2 =	vtrunc.f32 v2  }
0x5b: {  	v1 =	vsel vm0, v13, v1;
	v2 =	vcvt.f32.s32 v2  }
0x5c: {  	v6 =	vcvt.s32.f32 v1;
	v5 =	vmul.u32 $0xFFFEAE80, v5  }
0x5d: {  	v2 =	vmul.u32 $0xFFFEAE80, v2  }
0x5e: {  	v6 =	vmul.f32 $2.777777850e-04, v6;
	v4 =	vadd.s32 v4, v5  }
0x5f: {  	vm1 =	vlt.s32 v4, $0x0;
	v15 =	vadd.s32 $0x15180, v4;
	v2 =	vadd.s32 v3, v2  }
0x60: {  	v4 =	vsel vm1, v15, v4;
	vm7 =	vlt.s32 v2, $0x0;
	v3 =	vadd.s32 $0x15180, v2  }
0x61: {  	vm8 =	vgt.s32 v4, $0x1517F;
	v2 =	vsel vm7, v3, v2;
	v3 =	vtrunc.f32 v6  }
0x62: {  	v6 =	vadd.s32 $0xFFFEAE80, v4;
	vm0 =	vgt.s32 v2, $0x1517F;
	v14 =	vadd.s32 $0xFFFEAE80, v2  }
0x63: {  	v3 =	vcvt.f32.s32 v3;
	v4 =	vsel vm8, v6, v4;
	v2 =	vsel vm0, v14, v2  }
0x64: {  	v7 =	vcvt.s32.f32 v4;
	v5 =	vcvt.s32.f32 v2  }
0x65: {  	v16 =	vmul.u32 $0xFFFFF1F0, v3  }
0x66: {  	v17 =	vmul.f32 $2.777777850e-04, v7;
	v5 =	vmul.f32 $2.777777850e-04, v5  }
0x67: {  	v1 =	vadd.s32 v1, v16  }
0x68: {  	vm9 =	vlt.s32 v1, $0x0;
	v6 =	vtrunc.f32 v17;
	v5 =	vtrunc.f32 v5  }
0x69: {  	v8 =	vadd.s32 $0xE10, v1;
	v6 =	vcvt.f32.s32 v6;
	v5 =	vcvt.f32.s32 v5  }
0x6a: {  	v18 =	vshra.s32 v1, $0x1F;
	v1 =	vsel vm9, v8, v1  }
0x6b: {  	vm0 =	vgt.s32 v1, $0xE0F;
	v20 =	vmul.u32 $0xFFFFF1F0, v6;
	v19 =	vmul.u32 $0xFFFFF1F0, v5  }
0x6c: {  	v3 =	vadd.s32 v3, v18;
	v1 =	vsel vm0, $0x1, v0  }
0x6d: {  	v1 =	vadd.s32 v1, v3;
	v4 =	vadd.s32 v4, v20;
	v2 =	vadd.s32 v2, v19  }
0x6e: {  	vm11 =	vlt.s32 v4, $0x0;
	vm10 =	vlt.s32 v2, $0x0;
	v8 =	vadd.s32 $0xE10, v2  }
0x6f: {  	v7 =	vadd.s32 $0xE10, v4;
	v3 =	vshra.s32 v2, $0x1F;
	v2 =	vsel vm10, v8, v2  }
0x70: {  	v21 =	vsel vm11, v7, v4;
	v4 =	vshra.s32 v4, $0x1F;
	vm12 =	vgt.s32 v2, $0xE0F  }
0x71: {  	v3 =	vadd.s32 v5, v3;
	vm13 =	vgt.s32 v21, $0xE0F;
	v2 =	vsel vm12, $0x1, v0  }
0x72: {  	[tilespmem:$0x210] =	vst v1;
	v1 =	vadd.s32 v2, v3;
	v2 =	vadd.s32 v6, v4;
	v3 =	vsel vm13, $0x1, v0  }
0x73: {  	s31 =	rddreg [dreg:$0x13];
	[tilespmem:$0x220] =	vst v1;
	v1 =	vadd.s32 v3, v2  }
0x74: {  	s29 =	rddreg [dreg:$0x14];
	[tilespmem:$0x230] =	vst v1  }
0x75: {  	[tilespmem:s6], [sflag:$0x2] =	stream.indirect.gather [spmem:s1], $0x80, s29, s31, $0xb8;
	[tilespmem:$0x106C0] =	vst v63  }
0x76: {  	v1 =	vld [tilespmem:$0x40];
	_ =	sdelay $0x4  }
0x77: {  	v2 =	vshrl.u32 v1, $0x7  }
0x78: {  	v2 =	vcvt.s32.f32 v2  }
0x79: {  	v3 =	vld [tilespmem:$0x50]  }
0x7a: {  	v2 =	vmul.f32 $1.481481480e-03, v2;
	_ =	sdelay $0x1  }
0x7b: {  	v2 =	vtrunc.f32 v2  }
0x7c: {  	v2 =	vcvt.f32.s32 v2  }
0x7d: {  	v25 =	vld [tilespmem:$0x70];
	v22 =	vshrl.u32 v3, $0x7  }
0x7e: {  	v4 =	vcvt.s32.f32 v22;
	v2 =	vmul.u32 $0xFFFEAE80, v2;
	_ =	sdelay $0x1  }
0x7f: {  	v4 =	vmul.f32 $1.481481480e-03, v4;
	v1 =	vadd.s32 v1, v2  }
0x80: {  	v23 =	vld [tilespmem:$0x60];
	vm14 =	vlt.s32 v1, $0x0;
	v2 =	vadd.s32 $0x15180, v1  }
0x81: {  	v28 =	vshrl.u32 v25, $0x7;
	v4 =	vtrunc.f32 v4;
	v1 =	vsel vm14, v2, v1  }
0x82: {  	v2 =	vcvt.f32.s32 v4;
	vm0 =	vgt.s32 v1, $0x1517F;
	v24 =	vadd.s32 $0xFFFEAE80, v1  }
0x83: {  	v29 =	vcvt.s32.f32 v28;
	v1 =	vsel vm0, v24, v1  }
0x84: {  	v2 =	vmul.u32 $0xFFFEAE80, v2;
	v5 =	vcvt.s32.f32 v1  }
0x85: {  	v26 =	vshrl.u32 v23, $0x7;
	v7 =	vmul.f32 $1.481481480e-03, v29  }
0x86: {  	v2 =	vadd.s32 v3, v2;
	v3 =	vmul.f32 $2.777777850e-04, v5;
	v5 =	vcvt.s32.f32 v26;
	_ =	sdelay $0x1  }
0x87: {  	v7 =	vtrunc.f32 v7;
	v5 =	vmul.f32 $1.481481480e-03, v5  }
0x88: {  	v7 =	vcvt.f32.s32 v7  }
0x89: {  	vm15 =	vlt.s32 v2, $0x0;
	v27 =	vadd.s32 $0x15180, v2;
	v5 =	vtrunc.f32 v5  }
0x8a: {  	v7 =	vmul.u32 $0xFFFEAE80, v7;
	v2 =	vsel vm15, v27, v2;
	v5 =	vcvt.f32.s32 v5  }
0x8b: {  	v3 =	vtrunc.f32 v3;
	vm0 =	vgt.s32 v2, $0x1517F;
	v30 =	vadd.s32 $0xFFFEAE80, v2  }
0x8c: {  	v3 =	vcvt.f32.s32 v3;
	v2 =	vsel vm0, v30, v2;
	v5 =	vmul.u32 $0xFFFEAE80, v5  }
0x8d: {  	v6 =	vadd.s32 v25, v7;
	v8 =	vcvt.s32.f32 v2  }
0x8e: {  	vm5 =	vlt.s32 v6, $0x0;
	v9 =	vmul.u32 $0xFFFFF1F0, v3;
	v4 =	vadd.s32 v23, v5  }
0x8f: {  	v8 =	vmul.f32 $2.777777850e-04, v8;
	vm4 =	vlt.s32 v4, $0x0;
	v5 =	vadd.s32 $0x15180, v4  }
0x90: {  	v31 =	vadd.s32 $0x15180, v6;
	v1 =	vadd.s32 v1, v9;
	v4 =	vsel vm4, v5, v4  }
0x91: {  	v8 =	vtrunc.f32 v8;
	v5 =	vsel vm5, v31, v6;
	vm6 =	vgt.s32 v4, $0x1517F  }
0x92: {  	v32 =	vadd.s32 $0xFFFEAE80, v4;
	vm7 =	vgt.s32 v5, $0x1517F;
	v33 =	vadd.s32 $0xFFFEAE80, v5  }
0x93: {  	v34 =	vcvt.f32.s32 v8;
	v4 =	vsel vm6, v32, v4;
	v5 =	vsel vm7, v33, v5  }
0x94: {  	vm8 =	vlt.s32 v1, $0x0;
	v35 =	vcvt.s32.f32 v4;
	v11 =	vcvt.s32.f32 v5  }
0x95: {  	v36 =	vshra.s32 v1, $0x1F;
	v9 =	vadd.s32 $0xE10, v1;
	v10 =	vmul.u32 $0xFFFFF1F0, v34  }
0x96: {  	v1 =	vsel vm8, v9, v1;
	v8 =	vmul.f32 $2.777777850e-04, v35;
	v38 =	vmul.f32 $2.777777850e-04, v11  }
0x97: {  	v3 =	vadd.s32 v3, v36;
	vm10 =	vgt.s32 v1, $0xE0F;
	v2 =	vadd.s32 v2, v10  }
0x98: {  	vm9 =	vlt.s32 v2, $0x0;
	v37 =	vtrunc.f32 v8;
	v1 =	vtrunc.f32 v38  }
0x99: {  	v39 =	vadd.s32 $0xE10, v2;
	v6 =	vcvt.f32.s32 v37;
	v1 =	vcvt.f32.s32 v1  }
0x9a: {  	v41 =	vsel vm10, $0x1, v0;
	v9 =	vsel vm9, v39, v2;
	v2 =	vshra.s32 v2, $0x1F  }
0x9b: {  	vm11 =	vgt.s32 v9, $0xE0F;
	v40 =	vmul.u32 $0xFFFFF1F0, v6;
	v43 =	vmul.u32 $0xFFFFF1F0, v1  }
0x9c: {  	v3 =	vadd.s32 v41, v3;
	v2 =	vadd.s32 v34, v2;
	v42 =	vsel vm11, $0x1, v0  }
0x9d: {  	v2 =	vadd.s32 v42, v2;
	v4 =	vadd.s32 v4, v40;
	v5 =	vadd.s32 v5, v43  }
0x9e: {  	vm12 =	vlt.s32 v4, $0x0;
	v44 =	vshra.s32 v4, $0x1F;
	v45 =	vadd.s32 $0xE10, v4  }
0x9f: {  	vm13 =	vlt.s32 v5, $0x0;
	v8 =	vadd.s32 $0xE10, v5;
	v4 =	vsel vm12, v45, v4  }
0xa0: {  	v47 =	vshra.s32 v5, $0x1F;
	v46 =	vsel vm13, v8, v5;
	vm14 =	vgt.s32 v4, $0xE0F  }
0xa1: {  	[tilespmem:$0x280] =	vst v3;
	v6 =	vadd.s32 v6, v44;
	vm15 =	vgt.s32 v46, $0xE0F;
	v3 =	vsel vm14, $0x1, v0  }
0xa2: {  	[tilespmem:$0x290] =	vst v2;
	v1 =	vadd.s32 v1, v47;
	v2 =	vadd.s32 v3, v6;
	v3 =	vsel vm15, $0x1, v0  }
0xa3: {  	[tilespmem:$0x2A0] =	vst v2;
	v1 =	vadd.s32 v3, v1  }
0xa4: {  	s30 =	rddreg [dreg:$0x15];
	[tilespmem:$0x2B0] =	vst v1  }
0xa5: {  	[tilespmem:s8], [sflag:$0x3] =	stream.indirect.gather [spmem:s1], $0x80, s30, s7, $0xb8;
	[tilespmem:$0x106C0] =	vst v63  }
0xa6: {  	v1 =	vld [tilespmem:$0x80];
	_ =	sdelay $0x4  }
0xa7: {  	v2 =	vshrl.u32 v1, $0x7  }
0xa8: {  	v2 =	vcvt.s32.f32 v2  }
0xa9: {  	v3 =	vld [tilespmem:$0x90]  }
0xaa: {  	v2 =	vmul.f32 $1.481481480e-03, v2;
	_ =	sdelay $0x1  }
0xab: {  	v2 =	vtrunc.f32 v2  }
0xac: {  	v2 =	vcvt.f32.s32 v2  }
0xad: {  	v51 =	vld [tilespmem:$0xB0];
	v48 =	vshrl.u32 v3, $0x7  }
0xae: {  	v4 =	vcvt.s32.f32 v48;
	v2 =	vmul.u32 $0xFFFEAE80, v2;
	_ =	sdelay $0x1  }
0xaf: {  	v4 =	vmul.f32 $1.481481480e-03, v4;
	v1 =	vadd.s32 v1, v2  }
0xb0: {  	v49 =	vld [tilespmem:$0xA0];
	vm4 =	vlt.s32 v1, $0x0;
	v2 =	vadd.s32 $0x15180, v1  }
0xb1: {  	v54 =	vshrl.u32 v51, $0x7;
	v4 =	vtrunc.f32 v4;
	v1 =	vsel vm4, v2, v1  }
0xb2: {  	v2 =	vcvt.f32.s32 v4;
	vm0 =	vgt.s32 v1, $0x1517F;
	v50 =	vadd.s32 $0xFFFEAE80, v1  }
0xb3: {  	v55 =	vcvt.s32.f32 v54;
	v1 =	vsel vm0, v50, v1  }
0xb4: {  	v2 =	vmul.u32 $0xFFFEAE80, v2;
	v5 =	vcvt.s32.f32 v1  }
0xb5: {  	v52 =	vshrl.u32 v49, $0x7;
	v7 =	vmul.f32 $1.481481480e-03, v55  }
0xb6: {  	v2 =	vadd.s32 v3, v2;
	v3 =	vmul.f32 $2.777777850e-04, v5;
	v5 =	vcvt.s32.f32 v52;
	_ =	sdelay $0x1  }
0xb7: {  	v7 =	vtrunc.f32 v7;
	v5 =	vmul.f32 $1.481481480e-03, v5  }
0xb8: {  	v7 =	vcvt.f32.s32 v7  }
0xb9: {  	vm5 =	vlt.s32 v2, $0x0;
	v53 =	vadd.s32 $0x15180, v2;
	v5 =	vtrunc.f32 v5  }
0xba: {  	v7 =	vmul.u32 $0xFFFEAE80, v7;
	v2 =	vsel vm5, v53, v2;
	v5 =	vcvt.f32.s32 v5  }
0xbb: {  	v3 =	vtrunc.f32 v3;
	vm0 =	vgt.s32 v2, $0x1517F;
	v56 =	vadd.s32 $0xFFFEAE80, v2  }
0xbc: {  	v3 =	vcvt.f32.s32 v3;
	v2 =	vsel vm0, v56, v2;
	v5 =	vmul.u32 $0xFFFEAE80, v5  }
0xbd: {  	v6 =	vadd.s32 v51, v7;
	v8 =	vcvt.s32.f32 v2  }
0xbe: {  	vm7 =	vlt.s32 v6, $0x0;
	v57 =	vmul.u32 $0xFFFFF1F0, v3;
	v4 =	vadd.s32 v49, v5  }
0xbf: {  	v8 =	vmul.f32 $2.777777850e-04, v8;
	vm6 =	vlt.s32 v4, $0x0;
	v5 =	vadd.s32 $0x15180, v4  }
0xc0: {  	v58 =	vadd.s32 $0x15180, v6;
	v1 =	vadd.s32 v1, v57;
	v4 =	vsel vm6, v5, v4  }
0xc1: {  	v8 =	vtrunc.f32 v8;
	v5 =	vsel vm7, v58, v6;
	vm8 =	vgt.s32 v4, $0x1517F  }
0xc2: {  	v59 =	vadd.s32 $0xFFFEAE80, v4;
	vm9 =	vgt.s32 v5, $0x1517F;
	v60 =	vadd.s32 $0xFFFEAE80, v5  }
0xc3: {  	v61 =	vcvt.f32.s32 v8;
	v4 =	vsel vm8, v59, v4;
	v5 =	vsel vm9, v60, v5  }
0xc4: {  	vm10 =	vlt.s32 v1, $0x0;
	v62 =	vcvt.s32.f32 v4;
	v13 =	vcvt.s32.f32 v5  }
0xc5: {  	v63 =	vshra.s32 v1, $0x1F;
	v9 =	vadd.s32 $0xE10, v1;
	v12 =	vmul.u32 $0xFFFFF1F0, v61  }
0xc6: {  	v1 =	vsel vm10, v9, v1;
	v8 =	vmul.f32 $2.777777850e-04, v62;
	v15 =	vmul.f32 $2.777777850e-04, v13  }
0xc7: {  	v3 =	vadd.s32 v3, v63;
	vm12 =	vgt.s32 v1, $0xE0F;
	v2 =	vadd.s32 v2, v12  }
0xc8: {  	vm11 =	vlt.s32 v2, $0x0;
	v14 =	vtrunc.f32 v8;
	v1 =	vtrunc.f32 v15  }
0xc9: {  	v16 =	vadd.s32 $0xE10, v2;
	v6 =	vcvt.f32.s32 v14;
	v1 =	vcvt.f32.s32 v1  }
0xca: {  	v18 =	vsel vm12, $0x1, v0;
	v9 =	vsel vm11, v16, v2;
	v2 =	vshra.s32 v2, $0x1F  }
0xcb: {  	vm13 =	vgt.s32 v9, $0xE0F;
	v17 =	vmul.u32 $0xFFFFF1F0, v6;
	v20 =	vmul.u32 $0xFFFFF1F0, v1  }
0xcc: {  	v3 =	vadd.s32 v18, v3;
	v2 =	vadd.s32 v61, v2;
	v19 =	vsel vm13, $0x1, v0  }
0xcd: {  	v2 =	vadd.s32 v19, v2;
	v4 =	vadd.s32 v4, v17;
	v5 =	vadd.s32 v5, v20  }
0xce: {  	vm14 =	vlt.s32 v4, $0x0;
	v21 =	vshra.s32 v4, $0x1F;
	v22 =	vadd.s32 $0xE10, v4  }
0xcf: {  	vm15 =	vlt.s32 v5, $0x0;
	v8 =	vadd.s32 $0xE10, v5;
	v4 =	vsel vm14, v22, v4  }
0xd0: {  	v24 =	vshra.s32 v5, $0x1F;
	v23 =	vsel vm15, v8, v5;
	vm4 =	vgt.s32 v4, $0xE0F  }
0xd1: {  	[tilespmem:$0x300] =	vst v3;
	v6 =	vadd.s32 v6, v21;
	vm5 =	vgt.s32 v23, $0xE0F;
	v3 =	vsel vm4, $0x1, v0  }
0xd2: {  	[tilespmem:$0x310] =	vst v2;
	v1 =	vadd.s32 v1, v24;
	v2 =	vadd.s32 v3, v6;
	v3 =	vsel vm5, $0x1, v0  }
0xd3: {  	[tilespmem:$0x320] =	vst v2;
	v1 =	vadd.s32 v3, v1  }
0xd4: {  	s31 =	rddreg [dreg:$0x16];
	[tilespmem:$0x330] =	vst v1  }
0xd5: {  	[tilespmem:s9], [sflag:$0x4] =	stream.indirect.gather [spmem:s1], $0x80, s31, s7, $0xb8;
	[tilespmem:$0x106C0] =	vst v63  }
0xd6: {  	v1 =	vld [tilespmem:$0xC0];
	_ =	sdelay $0x4  }
0xd7: {  	v2 =	vshrl.u32 v1, $0x7  }
0xd8: {  	v2 =	vcvt.s32.f32 v2  }
0xd9: {  	v3 =	vld [tilespmem:$0xD0]  }
0xda: {  	v2 =	vmul.f32 $1.481481480e-03, v2;
	_ =	sdelay $0x1  }
0xdb: {  	v2 =	vtrunc.f32 v2  }
0xdc: {  	v2 =	vcvt.f32.s32 v2  }
0xdd: {  	v28 =	vld [tilespmem:$0xF0];
	v25 =	vshrl.u32 v3, $0x7  }
0xde: {  	v4 =	vcvt.s32.f32 v25;
	v2 =	vmul.u32 $0xFFFEAE80, v2;
	_ =	sdelay $0x1  }
0xdf: {  	v4 =	vmul.f32 $1.481481480e-03, v4;
	v1 =	vadd.s32 v1, v2  }
0xe0: {  	v26 =	vld [tilespmem:$0xE0];
	vm6 =	vlt.s32 v1, $0x0;
	v2 =	vadd.s32 $0x15180, v1  }
0xe1: {  	v31 =	vshrl.u32 v28, $0x7;
	v4 =	vtrunc.f32 v4;
	v1 =	vsel vm6, v2, v1  }
0xe2: {  	v2 =	vcvt.f32.s32 v4;
	vm0 =	vgt.s32 v1, $0x1517F;
	v27 =	vadd.s32 $0xFFFEAE80, v1  }
0xe3: {  	v32 =	vcvt.s32.f32 v31;
	v1 =	vsel vm0, v27, v1  }
0xe4: {  	v2 =	vmul.u32 $0xFFFEAE80, v2;
	v5 =	vcvt.s32.f32 v1  }
0xe5: {  	v29 =	vshrl.u32 v26, $0x7;
	v7 =	vmul.f32 $1.481481480e-03, v32  }
0xe6: {  	v2 =	vadd.s32 v3, v2;
	v3 =	vmul.f32 $2.777777850e-04, v5;
	v5 =	vcvt.s32.f32 v29;
	_ =	sdelay $0x1  }
0xe7: {  	v7 =	vtrunc.f32 v7;
	v5 =	vmul.f32 $1.481481480e-03, v5  }
0xe8: {  	v7 =	vcvt.f32.s32 v7  }
0xe9: {  	vm7 =	vlt.s32 v2, $0x0;
	v30 =	vadd.s32 $0x15180, v2;
	v5 =	vtrunc.f32 v5  }
0xea: {  	v7 =	vmul.u32 $0xFFFEAE80, v7;
	v2 =	vsel vm7, v30, v2;
	v5 =	vcvt.f32.s32 v5  }
0xeb: {  	v3 =	vtrunc.f32 v3;
	vm0 =	vgt.s32 v2, $0x1517F;
	v33 =	vadd.s32 $0xFFFEAE80, v2  }
0xec: {  	v3 =	vcvt.f32.s32 v3;
	v2 =	vsel vm0, v33, v2;
	v5 =	vmul.u32 $0xFFFEAE80, v5  }
0xed: {  	v6 =	vadd.s32 v28, v7;
	v8 =	vcvt.s32.f32 v2  }
0xee: {  	vm9 =	vlt.s32 v6, $0x0;
	v34 =	vmul.u32 $0xFFFFF1F0, v3;
	v4 =	vadd.s32 v26, v5  }
0xef: {  	v8 =	vmul.f32 $2.777777850e-04, v8;
	vm8 =	vlt.s32 v4, $0x0;
	v5 =	vadd.s32 $0x15180, v4  }
0xf0: {  	v35 =	vadd.s32 $0x15180, v6;
	v1 =	vadd.s32 v1, v34;
	v4 =	vsel vm8, v5, v4  }
0xf1: {  	v8 =	vtrunc.f32 v8;
	v5 =	vsel vm9, v35, v6;
	vm10 =	vgt.s32 v4, $0x1517F  }
0xf2: {  	v36 =	vadd.s32 $0xFFFEAE80, v4;
	vm11 =	vgt.s32 v5, $0x1517F;
	v37 =	vadd.s32 $0xFFFEAE80, v5  }
0xf3: {  	v38 =	vcvt.f32.s32 v8;
	v4 =	vsel vm10, v36, v4;
	v5 =	vsel vm11, v37, v5  }
0xf4: {  	vm12 =	vlt.s32 v1, $0x0;
	v39 =	vcvt.s32.f32 v4;
	v42 =	vcvt.s32.f32 v5  }
0xf5: {  	v40 =	vshra.s32 v1, $0x1F;
	v9 =	vadd.s32 $0xE10, v1;
	v41 =	vmul.u32 $0xFFFFF1F0, v38  }
0xf6: {  	v1 =	vsel vm12, v9, v1;
	v8 =	vmul.f32 $2.777777850e-04, v39;
	v44 =	vmul.f32 $2.777777850e-04, v42  }
0xf7: {  	v3 =	vadd.s32 v3, v40;
	vm14 =	vgt.s32 v1, $0xE0F;
	v2 =	vadd.s32 v2, v41  }
0xf8: {  	vm13 =	vlt.s32 v2, $0x0;
	v43 =	vtrunc.f32 v8;
	v1 =	vtrunc.f32 v44  }
0xf9: {  	v45 =	vadd.s32 $0xE10, v2;
	v6 =	vcvt.f32.s32 v43;
	v1 =	vcvt.f32.s32 v1  }
0xfa: {  	v47 =	vsel vm14, $0x1, v0;
	v9 =	vsel vm13, v45, v2;
	v2 =	vshra.s32 v2, $0x1F  }
0xfb: {  	vm15 =	vgt.s32 v9, $0xE0F;
	v46 =	vmul.u32 $0xFFFFF1F0, v6;
	v49 =	vmul.u32 $0xFFFFF1F0, v1  }
0xfc: {  	v3 =	vadd.s32 v47, v3;
	v2 =	vadd.s32 v38, v2;
	v48 =	vsel vm15, $0x1, v0  }
0xfd: {  	v2 =	vadd.s32 v48, v2;
	v4 =	vadd.s32 v4, v46;
	v5 =	vadd.s32 v5, v49  }
0xfe: {  	vm4 =	vlt.s32 v4, $0x0;
	v50 =	vshra.s32 v4, $0x1F;
	v51 =	vadd.s32 $0xE10, v4  }
0xff: {  	vm5 =	vlt.s32 v5, $0x0;
	v8 =	vadd.s32 $0xE10, v5;
	v4 =	vsel vm4, v51, v4  }
0x100: {  	v53 =	vshra.s32 v5, $0x1F;
	v52 =	vsel vm5, v8, v5;
	vm6 =	vgt.s32 v4, $0xE0F  }
0x101: {  	[tilespmem:$0x380] =	vst v3;
	v6 =	vadd.s32 v6, v50;
	vm7 =	vgt.s32 v52, $0xE0F;
	v3 =	vsel vm6, $0x1, v0  }
0x102: {  	[tilespmem:$0x390] =	vst v2;
	v1 =	vadd.s32 v1, v53;
	v2 =	vadd.s32 v3, v6;
	v3 =	vsel vm7, $0x1, v0  }
0x103: {  	[tilespmem:$0x3A0] =	vst v2;
	v1 =	vadd.s32 v3, v1  }
0x104: {  	s28 =	rddreg [dreg:$0x17];
	[tilespmem:$0x3B0] =	vst v1  }
0x105: {  	[tilespmem:s10], [sflag:$0x5] =	stream.indirect.gather [spmem:s1], $0x80, s28, s7, $0xb8;
	[tilespmem:$0x106C0] =	vst v63  }
0x106: {  	v1 =	vld [tilespmem:$0x100];
	_ =	sdelay $0x4  }
0x107: {  	v2 =	vshrl.u32 v1, $0x7  }
0x108: {  	v2 =	vcvt.s32.f32 v2  }
0x109: {  	v3 =	vld [tilespmem:$0x110]  }
0x10a: {  	v2 =	vmul.f32 $1.481481480e-03, v2;
	_ =	sdelay $0x1  }
0x10b: {  	v2 =	vtrunc.f32 v2  }
0x10c: {  	v2 =	vcvt.f32.s32 v2  }
0x10d: {  	v57 =	vld [tilespmem:$0x130];
	v54 =	vshrl.u32 v3, $0x7  }
0x10e: {  	v4 =	vcvt.s32.f32 v54;
	v2 =	vmul.u32 $0xFFFEAE80, v2;
	_ =	sdelay $0x1  }
0x10f: {  	v4 =	vmul.f32 $1.481481480e-03, v4;
	v1 =	vadd.s32 v1, v2  }
0x110: {  	v55 =	vld [tilespmem:$0x120];
	vm8 =	vlt.s32 v1, $0x0;
	v2 =	vadd.s32 $0x15180, v1  }
0x111: {  	v60 =	vshrl.u32 v57, $0x7;
	v4 =	vtrunc.f32 v4;
	v1 =	vsel vm8, v2, v1  }
0x112: {  	v2 =	vcvt.f32.s32 v4;
	vm0 =	vgt.s32 v1, $0x1517F;
	v56 =	vadd.s32 $0xFFFEAE80, v1  }
0x113: {  	v61 =	vcvt.s32.f32 v60;
	v1 =	vsel vm0, v56, v1  }
0x114: {  	v2 =	vmul.u32 $0xFFFEAE80, v2;
	v5 =	vcvt.s32.f32 v1  }
0x115: {  	v58 =	vshrl.u32 v55, $0x7;
	v7 =	vmul.f32 $1.481481480e-03, v61  }
0x116: {  	v2 =	vadd.s32 v3, v2;
	v3 =	vmul.f32 $2.777777850e-04, v5;
	v5 =	vcvt.s32.f32 v58;
	_ =	sdelay $0x1  }
0x117: {  	v7 =	vtrunc.f32 v7;
	v5 =	vmul.f32 $1.481481480e-03, v5  }
0x118: {  	v7 =	vcvt.f32.s32 v7  }
0x119: {  	vm9 =	vlt.s32 v2, $0x0;
	v59 =	vadd.s32 $0x15180, v2;
	v5 =	vtrunc.f32 v5  }
0x11a: {  	v7 =	vmul.u32 $0xFFFEAE80, v7;
	v2 =	vsel vm9, v59, v2;
	v5 =	vcvt.f32.s32 v5  }
0x11b: {  	v3 =	vtrunc.f32 v3;
	vm0 =	vgt.s32 v2, $0x1517F;
	v62 =	vadd.s32 $0xFFFEAE80, v2  }
0x11c: {  	v3 =	vcvt.f32.s32 v3;
	v2 =	vsel vm0, v62, v2;
	v5 =	vmul.u32 $0xFFFEAE80, v5  }
0x11d: {  	v6 =	vadd.s32 v57, v7;
	v8 =	vcvt.s32.f32 v2  }
0x11e: {  	vm11 =	vlt.s32 v6, $0x0;
	v63 =	vmul.u32 $0xFFFFF1F0, v3;
	v4 =	vadd.s32 v55, v5  }
0x11f: {  	v8 =	vmul.f32 $2.777777850e-04, v8;
	vm10 =	vlt.s32 v4, $0x0;
	v5 =	vadd.s32 $0x15180, v4  }
0x120: {  	v10 =	vadd.s32 $0x15180, v6;
	v1 =	vadd.s32 v1, v63;
	v4 =	vsel vm10, v5, v4  }
0x121: {  	v8 =	vtrunc.f32 v8;
	v5 =	vsel vm11, v10, v6;
	vm12 =	vgt.s32 v4, $0x1517F  }
0x122: {  	v11 =	vadd.s32 $0xFFFEAE80, v4;
	vm13 =	vgt.s32 v5, $0x1517F;
	v12 =	vadd.s32 $0xFFFEAE80, v5  }
0x123: {  	v13 =	vcvt.f32.s32 v8;
	v4 =	vsel vm12, v11, v4;
	v5 =	vsel vm13, v12, v5  }
0x124: {  	vm14 =	vlt.s32 v1, $0x0;
	v14 =	vcvt.s32.f32 v4;
	v17 =	vcvt.s32.f32 v5  }
0x125: {  	v15 =	vshra.s32 v1, $0x1F;
	v9 =	vadd.s32 $0xE10, v1;
	v16 =	vmul.u32 $0xFFFFF1F0, v13  }
0x126: {  	v1 =	vsel vm14, v9, v1;
	v8 =	vmul.f32 $2.777777850e-04, v14;
	v19 =	vmul.f32 $2.777777850e-04, v17  }
0x127: {  	v3 =	vadd.s32 v3, v15;
	vm4 =	vgt.s32 v1, $0xE0F;
	v2 =	vadd.s32 v2, v16  }
0x128: {  	vm15 =	vlt.s32 v2, $0x0;
	v18 =	vtrunc.f32 v8;
	v1 =	vtrunc.f32 v19  }
0x129: {  	v20 =	vadd.s32 $0xE10, v2;
	v6 =	vcvt.f32.s32 v18;
	v1 =	vcvt.f32.s32 v1  }
0x12a: {  	v22 =	vsel vm4, $0x1, v0;
	v9 =	vsel vm15, v20, v2;
	v2 =	vshra.s32 v2, $0x1F  }
0x12b: {  	vm5 =	vgt.s32 v9, $0xE0F;
	v21 =	vmul.u32 $0xFFFFF1F0, v6;
	v24 =	vmul.u32 $0xFFFFF1F0, v1  }
0x12c: {  	v3 =	vadd.s32 v22, v3;
	v2 =	vadd.s32 v13, v2;
	v23 =	vsel vm5, $0x1, v0  }
0x12d: {  	v2 =	vadd.s32 v23, v2;
	v4 =	vadd.s32 v4, v21;
	v5 =	vadd.s32 v5, v24  }
0x12e: {  	vm6 =	vlt.s32 v4, $0x0;
	v25 =	vshra.s32 v4, $0x1F;
	v26 =	vadd.s32 $0xE10, v4  }
0x12f: {  	vm7 =	vlt.s32 v5, $0x0;
	v8 =	vadd.s32 $0xE10, v5;
	v4 =	vsel vm6, v26, v4  }
0x130: {  	v28 =	vshra.s32 v5, $0x1F;
	v27 =	vsel vm7, v8, v5;
	vm8 =	vgt.s32 v4, $0xE0F  }
0x131: {  	[tilespmem:$0x400] =	vst v3;
	v6 =	vadd.s32 v6, v25;
	vm9 =	vgt.s32 v27, $0xE0F;
	v3 =	vsel vm8, $0x1, v0  }
0x132: {  	[tilespmem:$0x410] =	vst v2;
	v1 =	vadd.s32 v1, v28;
	v2 =	vadd.s32 v3, v6;
	v3 =	vsel vm9, $0x1, v0  }
0x133: {  	[tilespmem:$0x420] =	vst v2;
	v1 =	vadd.s32 v3, v1  }
0x134: {  	s29 =	rddreg [dreg:$0x18];
	[tilespmem:$0x430] =	vst v1  }
0x135: {  	[tilespmem:s11], [sflag:$0x6] =	stream.indirect.gather [spmem:s1], $0x80, s29, s7, $0xb8;
	[tilespmem:$0x106C0] =	vst v63  }
0x136: {  	v1 =	vld [tilespmem:$0x140];
	_ =	sdelay $0x4  }
0x137: {  	v2 =	vshrl.u32 v1, $0x7  }
0x138: {  	v2 =	vcvt.s32.f32 v2  }
0x139: {  	v3 =	vld [tilespmem:$0x150]  }
0x13a: {  	v2 =	vmul.f32 $1.481481480e-03, v2;
	_ =	sdelay $0x1  }
0x13b: {  	v2 =	vtrunc.f32 v2  }
0x13c: {  	v2 =	vcvt.f32.s32 v2  }
0x13d: {  	v32 =	vld [tilespmem:$0x170];
	v29 =	vshrl.u32 v3, $0x7  }
0x13e: {  	v4 =	vcvt.s32.f32 v29;
	v2 =	vmul.u32 $0xFFFEAE80, v2;
	_ =	sdelay $0x1  }
0x13f: {  	v4 =	vmul.f32 $1.481481480e-03, v4;
	v1 =	vadd.s32 v1, v2  }
0x140: {  	v30 =	vld [tilespmem:$0x160];
	vm10 =	vlt.s32 v1, $0x0;
	v2 =	vadd.s32 $0x15180, v1  }
0x141: {  	v35 =	vshrl.u32 v32, $0x7;
	v4 =	vtrunc.f32 v4;
	v1 =	vsel vm10, v2, v1  }
0x142: {  	v2 =	vcvt.f32.s32 v4;
	vm0 =	vgt.s32 v1, $0x1517F;
	v31 =	vadd.s32 $0xFFFEAE80, v1  }
0x143: {  	v36 =	vcvt.s32.f32 v35;
	v1 =	vsel vm0, v31, v1  }
0x144: {  	v2 =	vmul.u32 $0xFFFEAE80, v2;
	v5 =	vcvt.s32.f32 v1  }
0x145: {  	v33 =	vshrl.u32 v30, $0x7;
	v7 =	vmul.f32 $1.481481480e-03, v36  }
0x146: {  	v2 =	vadd.s32 v3, v2;
	v3 =	vmul.f32 $2.777777850e-04, v5;
	v5 =	vcvt.s32.f32 v33;
	_ =	sdelay $0x1  }
0x147: {  	v7 =	vtrunc.f32 v7;
	v5 =	vmul.f32 $1.481481480e-03, v5  }
0x148: {  	v7 =	vcvt.f32.s32 v7  }
0x149: {  	vm11 =	vlt.s32 v2, $0x0;
	v34 =	vadd.s32 $0x15180, v2;
	v5 =	vtrunc.f32 v5  }
0x14a: {  	v7 =	vmul.u32 $0xFFFEAE80, v7;
	v2 =	vsel vm11, v34, v2;
	v5 =	vcvt.f32.s32 v5  }
0x14b: {  	v3 =	vtrunc.f32 v3;
	vm0 =	vgt.s32 v2, $0x1517F;
	v37 =	vadd.s32 $0xFFFEAE80, v2  }
0x14c: {  	v3 =	vcvt.f32.s32 v3;
	v2 =	vsel vm0, v37, v2;
	v5 =	vmul.u32 $0xFFFEAE80, v5  }
0x14d: {  	v6 =	vadd.s32 v32, v7;
	v8 =	vcvt.s32.f32 v2  }
0x14e: {  	vm13 =	vlt.s32 v6, $0x0;
	v38 =	vmul.u32 $0xFFFFF1F0, v3;
	v4 =	vadd.s32 v30, v5  }
0x14f: {  	v8 =	vmul.f32 $2.777777850e-04, v8;
	vm12 =	vlt.s32 v4, $0x0;
	v5 =	vadd.s32 $0x15180, v4  }
0x150: {  	v39 =	vadd.s32 $0x15180, v6;
	v1 =	vadd.s32 v1, v38;
	v4 =	vsel vm12, v5, v4  }
0x151: {  	v8 =	vtrunc.f32 v8;
	v5 =	vsel vm13, v39, v6;
	vm14 =	vgt.s32 v4, $0x1517F  }
0x152: {  	v40 =	vadd.s32 $0xFFFEAE80, v4;
	vm15 =	vgt.s32 v5, $0x1517F;
	v41 =	vadd.s32 $0xFFFEAE80, v5  }
0x153: {  	v42 =	vcvt.f32.s32 v8;
	v4 =	vsel vm14, v40, v4;
	v5 =	vsel vm15, v41, v5  }
0x154: {  	vm4 =	vlt.s32 v1, $0x0;
	v43 =	vcvt.s32.f32 v4;
	v46 =	vcvt.s32.f32 v5  }
0x155: {  	v44 =	vshra.s32 v1, $0x1F;
	v9 =	vadd.s32 $0xE10, v1;
	v45 =	vmul.u32 $0xFFFFF1F0, v42  }
0x156: {  	v1 =	vsel vm4, v9, v1;
	v8 =	vmul.f32 $2.777777850e-04, v43;
	v48 =	vmul.f32 $2.777777850e-04, v46  }
0x157: {  	v3 =	vadd.s32 v3, v44;
	vm6 =	vgt.s32 v1, $0xE0F;
	v2 =	vadd.s32 v2, v45  }
0x158: {  	vm5 =	vlt.s32 v2, $0x0;
	v47 =	vtrunc.f32 v8;
	v1 =	vtrunc.f32 v48  }
0x159: {  	v49 =	vadd.s32 $0xE10, v2;
	v6 =	vcvt.f32.s32 v47;
	v1 =	vcvt.f32.s32 v1  }
0x15a: {  	v51 =	vsel vm6, $0x1, v0;
	v9 =	vsel vm5, v49, v2;
	v2 =	vshra.s32 v2, $0x1F  }
0x15b: {  	vm7 =	vgt.s32 v9, $0xE0F;
	v50 =	vmul.u32 $0xFFFFF1F0, v6;
	v53 =	vmul.u32 $0xFFFFF1F0, v1  }
0x15c: {  	v3 =	vadd.s32 v51, v3;
	v2 =	vadd.s32 v42, v2;
	v52 =	vsel vm7, $0x1, v0  }
0x15d: {  	v2 =	vadd.s32 v52, v2;
	v4 =	vadd.s32 v4, v50;
	v5 =	vadd.s32 v5, v53  }
0x15e: {  	vm8 =	vlt.s32 v4, $0x0;
	v54 =	vshra.s32 v4, $0x1F;
	v55 =	vadd.s32 $0xE10, v4  }
0x15f: {  	vm9 =	vlt.s32 v5, $0x0;
	v8 =	vadd.s32 $0xE10, v5;
	v4 =	vsel vm8, v55, v4  }
0x160: {  	v57 =	vshra.s32 v5, $0x1F;
	v56 =	vsel vm9, v8, v5;
	vm10 =	vgt.s32 v4, $0xE0F  }
0x161: {  	[tilespmem:$0x480] =	vst v3;
	v6 =	vadd.s32 v6, v54;
	vm11 =	vgt.s32 v56, $0xE0F;
	v3 =	vsel vm10, $0x1, v0  }
0x162: {  	[tilespmem:$0x490] =	vst v2;
	v1 =	vadd.s32 v1, v57;
	v2 =	vadd.s32 v3, v6;
	v3 =	vsel vm11, $0x1, v0  }
0x163: {  	[tilespmem:$0x4A0] =	vst v2;
	v1 =	vadd.s32 v3, v1  }
0x164: {  	s30 =	rddreg [dreg:$0x19];
	[tilespmem:$0x4B0] =	vst v1  }
0x165: {  	[tilespmem:s12], [sflag:$0x7] =	stream.indirect.gather [spmem:s1], $0x80, s30, s7, $0xb8;
	[tilespmem:$0x106C0] =	vst v63  }
0x166: {  	v1 =	vld [tilespmem:$0x180];
	_ =	sdelay $0x4  }
0x167: {  	v2 =	vshrl.u32 v1, $0x7  }
0x168: {  	v2 =	vcvt.s32.f32 v2  }
0x169: {  	v3 =	vld [tilespmem:$0x190]  }
0x16a: {  	v2 =	vmul.f32 $1.481481480e-03, v2;
	_ =	sdelay $0x1  }
0x16b: {  	v2 =	vtrunc.f32 v2  }
0x16c: {  	v2 =	vcvt.f32.s32 v2  }
0x16d: {  	v61 =	vld [tilespmem:$0x1B0];
	v58 =	vshrl.u32 v3, $0x7  }
0x16e: {  	v4 =	vcvt.s32.f32 v58;
	v2 =	vmul.u32 $0xFFFEAE80, v2;
	_ =	sdelay $0x1  }
0x16f: {  	v4 =	vmul.f32 $1.481481480e-03, v4;
	v1 =	vadd.s32 v1, v2  }
0x170: {  	v59 =	vld [tilespmem:$0x1A0];
	vm12 =	vlt.s32 v1, $0x0;
	v2 =	vadd.s32 $0x15180, v1  }
0x171: {  	v12 =	vshrl.u32 v61, $0x7;
	v4 =	vtrunc.f32 v4;
	v1 =	vsel vm12, v2, v1  }
0x172: {  	v2 =	vcvt.f32.s32 v4;
	vm0 =	vgt.s32 v1, $0x1517F;
	v60 =	vadd.s32 $0xFFFEAE80, v1  }
0x173: {  	v13 =	vcvt.s32.f32 v12;
	v1 =	vsel vm0, v60, v1  }
0x174: {  	v2 =	vmul.u32 $0xFFFEAE80, v2;
	v5 =	vcvt.s32.f32 v1  }
0x175: {  	v62 =	vshrl.u32 v59, $0x7;
	v7 =	vmul.f32 $1.481481480e-03, v13  }
0x176: {  	v2 =	vadd.s32 v3, v2;
	v3 =	vmul.f32 $2.777777850e-04, v5;
	v5 =	vcvt.s32.f32 v62;
	_ =	sdelay $0x1  }
0x177: {  	v7 =	vtrunc.f32 v7;
	v5 =	vmul.f32 $1.481481480e-03, v5  }
0x178: {  	v7 =	vcvt.f32.s32 v7  }
0x179: {  	vm13 =	vlt.s32 v2, $0x0;
	v63 =	vadd.s32 $0x15180, v2;
	v5 =	vtrunc.f32 v5  }
0x17a: {  	v7 =	vmul.u32 $0xFFFEAE80, v7;
	v2 =	vsel vm13, v63, v2;
	v5 =	vcvt.f32.s32 v5  }
0x17b: {  	v3 =	vtrunc.f32 v3;
	vm0 =	vgt.s32 v2, $0x1517F;
	v14 =	vadd.s32 $0xFFFEAE80, v2  }
0x17c: {  	v3 =	vcvt.f32.s32 v3;
	v2 =	vsel vm0, v14, v2;
	v5 =	vmul.u32 $0xFFFEAE80, v5  }
0x17d: {  	v6 =	vadd.s32 v61, v7;
	v8 =	vcvt.s32.f32 v2  }
0x17e: {  	vm15 =	vlt.s32 v6, $0x0;
	v15 =	vmul.u32 $0xFFFFF1F0, v3;
	v4 =	vadd.s32 v59, v5  }
0x17f: {  	v8 =	vmul.f32 $2.777777850e-04, v8;
	vm14 =	vlt.s32 v4, $0x0;
	v5 =	vadd.s32 $0x15180, v4  }
0x180: {  	v16 =	vadd.s32 $0x15180, v6;
	v1 =	vadd.s32 v1, v15;
	v4 =	vsel vm14, v5, v4  }
0x181: {  	v8 =	vtrunc.f32 v8;
	v5 =	vsel vm15, v16, v6;
	vm4 =	vgt.s32 v4, $0x1517F  }
0x182: {  	v17 =	vadd.s32 $0xFFFEAE80, v4;
	vm5 =	vgt.s32 v5, $0x1517F;
	v18 =	vadd.s32 $0xFFFEAE80, v5  }
0x183: {  	v19 =	vcvt.f32.s32 v8;
	v4 =	vsel vm4, v17, v4;
	v5 =	vsel vm5, v18, v5  }
0x184: {  	vm6 =	vlt.s32 v1, $0x0;
	v20 =	vcvt.s32.f32 v4;
	v23 =	vcvt.s32.f32 v5  }
0x185: {  	v21 =	vshra.s32 v1, $0x1F;
	v9 =	vadd.s32 $0xE10, v1;
	v22 =	vmul.u32 $0xFFFFF1F0, v19  }
0x186: {  	v1 =	vsel vm6, v9, v1;
	v8 =	vmul.f32 $2.777777850e-04, v20;
	v25 =	vmul.f32 $2.777777850e-04, v23  }
0x187: {  	v3 =	vadd.s32 v3, v21;
	vm8 =	vgt.s32 v1, $0xE0F;
	v2 =	vadd.s32 v2, v22  }
0x188: {  	vm7 =	vlt.s32 v2, $0x0;
	v24 =	vtrunc.f32 v8;
	v1 =	vtrunc.f32 v25  }
0x189: {  	v26 =	vadd.s32 $0xE10, v2;
	v6 =	vcvt.f32.s32 v24;
	v1 =	vcvt.f32.s32 v1  }
0x18a: {  	v28 =	vsel vm8, $0x1, v0;
	v9 =	vsel vm7, v26, v2;
	v2 =	vshra.s32 v2, $0x1F  }
0x18b: {  	vm9 =	vgt.s32 v9, $0xE0F;
	v27 =	vmul.u32 $0xFFFFF1F0, v6;
	v30 =	vmul.u32 $0xFFFFF1F0, v1  }
0x18c: {  	v3 =	vadd.s32 v28, v3;
	v2 =	vadd.s32 v19, v2;
	v29 =	vsel vm9, $0x1, v0  }
0x18d: {  	v2 =	vadd.s32 v29, v2;
	v4 =	vadd.s32 v4, v27;
	v5 =	vadd.s32 v5, v30  }
0x18e: {  	vm10 =	vlt.s32 v4, $0x0;
	v31 =	vshra.s32 v4, $0x1F;
	v32 =	vadd.s32 $0xE10, v4  }
0x18f: {  	vm11 =	vlt.s32 v5, $0x0;
	v8 =	vadd.s32 $0xE10, v5;
	v4 =	vsel vm10, v32, v4  }
0x190: {  	v34 =	vshra.s32 v5, $0x1F;
	v33 =	vsel vm11, v8, v5;
	vm12 =	vgt.s32 v4, $0xE0F  }
0x191: {  	[tilespmem:$0x500] =	vst v3;
	v6 =	vadd.s32 v6, v31;
	vm13 =	vgt.s32 v33, $0xE0F;
	v3 =	vsel vm12, $0x1, v0  }
0x192: {  	[tilespmem:$0x510] =	vst v2;
	v1 =	vadd.s32 v1, v34;
	v2 =	vadd.s32 v3, v6;
	v3 =	vsel vm13, $0x1, v0  }
0x193: {  	[tilespmem:$0x520] =	vst v2;
	v1 =	vadd.s32 v3, v1  }
0x194: {  	s31 =	rddreg [dreg:$0x1a];
	[tilespmem:$0x530] =	vst v1  }
0x195: {  	[tilespmem:s13], [sflag:$0x8] =	stream.indirect.gather [spmem:s1], $0x80, s31, s7, $0xb8;
	[tilespmem:$0x106C0] =	vst v63  }
0x196: {  	v1 =	vld [tilespmem:$0x1C0];
	_ =	sdelay $0x4  }
0x197: {  	v2 =	vshrl.u32 v1, $0x7  }
0x198: {  	v2 =	vcvt.s32.f32 v2  }
0x199: {  	v3 =	vld [tilespmem:$0x1D0]  }
0x19a: {  	v2 =	vmul.f32 $1.481481480e-03, v2;
	_ =	sdelay $0x1  }
0x19b: {  	v2 =	vtrunc.f32 v2  }
0x19c: {  	v2 =	vcvt.f32.s32 v2  }
0x19d: {  	v38 =	vld [tilespmem:$0x1F0];
	v35 =	vshrl.u32 v3, $0x7  }
0x19e: {  	v4 =	vcvt.s32.f32 v35;
	v2 =	vmul.u32 $0xFFFEAE80, v2;
	_ =	sdelay $0x1  }
0x19f: {  	v4 =	vmul.f32 $1.481481480e-03, v4;
	v1 =	vadd.s32 v1, v2  }
0x1a0: {  	v36 =	vld [tilespmem:$0x1E0];
	vm14 =	vlt.s32 v1, $0x0;
	v2 =	vadd.s32 $0x15180, v1  }
0x1a1: {  	v41 =	vshrl.u32 v38, $0x7;
	v4 =	vtrunc.f32 v4;
	v1 =	vsel vm14, v2, v1  }
0x1a2: {  	v2 =	vcvt.f32.s32 v4;
	vm0 =	vgt.s32 v1, $0x1517F;
	v37 =	vadd.s32 $0xFFFEAE80, v1  }
0x1a3: {  	v42 =	vcvt.s32.f32 v41;
	v1 =	vsel vm0, v37, v1  }
0x1a4: {  	v2 =	vmul.u32 $0xFFFEAE80, v2;
	v5 =	vcvt.s32.f32 v1  }
0x1a5: {  	v39 =	vshrl.u32 v36, $0x7;
	v7 =	vmul.f32 $1.481481480e-03, v42  }
0x1a6: {  	v2 =	vadd.s32 v3, v2;
	v3 =	vmul.f32 $2.777777850e-04, v5;
	v5 =	vcvt.s32.f32 v39;
	_ =	sdelay $0x1  }
0x1a7: {  	v7 =	vtrunc.f32 v7;
	v5 =	vmul.f32 $1.481481480e-03, v5  }
0x1a8: {  	v7 =	vcvt.f32.s32 v7  }
0x1a9: {  	vm15 =	vlt.s32 v2, $0x0;
	v40 =	vadd.s32 $0x15180, v2;
	v5 =	vtrunc.f32 v5  }
0x1aa: {  	v7 =	vmul.u32 $0xFFFEAE80, v7;
	v2 =	vsel vm15, v40, v2;
	v5 =	vcvt.f32.s32 v5  }
0x1ab: {  	v3 =	vtrunc.f32 v3;
	vm0 =	vgt.s32 v2, $0x1517F;
	v43 =	vadd.s32 $0xFFFEAE80, v2  }
0x1ac: {  	v3 =	vcvt.f32.s32 v3;
	v2 =	vsel vm0, v43, v2;
	v5 =	vmul.u32 $0xFFFEAE80, v5  }
0x1ad: {  	v6 =	vadd.s32 v38, v7;
	v8 =	vcvt.s32.f32 v2  }
0x1ae: {  	vm5 =	vlt.s32 v6, $0x0;
	v44 =	vmul.u32 $0xFFFFF1F0, v3;
	v4 =	vadd.s32 v36, v5  }
0x1af: {  	v8 =	vmul.f32 $2.777777850e-04, v8;
	vm4 =	vlt.s32 v4, $0x0;
	v5 =	vadd.s32 $0x15180, v4  }
0x1b0: {  	v45 =	vadd.s32 $0x15180, v6;
	v1 =	vadd.s32 v1, v44;
	v4 =	vsel vm4, v5, v4  }
0x1b1: {  	v8 =	vtrunc.f32 v8;
	v5 =	vsel vm5, v45, v6;
	vm6 =	vgt.s32 v4, $0x1517F  }
0x1b2: {  	v46 =	vadd.s32 $0xFFFEAE80, v4;
	vm7 =	vgt.s32 v5, $0x1517F;
	v47 =	vadd.s32 $0xFFFEAE80, v5  }
0x1b3: {  	v48 =	vcvt.f32.s32 v8;
	v4 =	vsel vm6, v46, v4;
	v5 =	vsel vm7, v47, v5  }
0x1b4: {  	vm8 =	vlt.s32 v1, $0x0;
	v49 =	vcvt.s32.f32 v4;
	v52 =	vcvt.s32.f32 v5  }
0x1b5: {  	v50 =	vshra.s32 v1, $0x1F;
	v9 =	vadd.s32 $0xE10, v1;
	v51 =	vmul.u32 $0xFFFFF1F0, v48  }
0x1b6: {  	v1 =	vsel vm8, v9, v1;
	v8 =	vmul.f32 $2.777777850e-04, v49;
	v54 =	vmul.f32 $2.777777850e-04, v52  }
0x1b7: {  	v3 =	vadd.s32 v3, v50;
	vm10 =	vgt.s32 v1, $0xE0F;
	v2 =	vadd.s32 v2, v51  }
0x1b8: {  	vm9 =	vlt.s32 v2, $0x0;
	v53 =	vtrunc.f32 v8;
	v1 =	vtrunc.f32 v54  }
0x1b9: {  	v55 =	vadd.s32 $0xE10, v2;
	v6 =	vcvt.f32.s32 v53;
	v1 =	vcvt.f32.s32 v1  }
0x1ba: {  	v57 =	vsel vm10, $0x1, v0;
	v9 =	vsel vm9, v55, v2;
	v2 =	vshra.s32 v2, $0x1F  }
0x1bb: {  	vm11 =	vgt.s32 v9, $0xE0F;
	v56 =	vmul.u32 $0xFFFFF1F0, v6;
	v58 =	vmul.u32 $0xFFFFF1F0, v1  }
0x1bc: {  	v3 =	vadd.s32 v57, v3;
	v2 =	vadd.s32 v48, v2;
	v9 =	vsel vm11, $0x1, v0  }
0x1bd: {  	v2 =	vadd.s32 v9, v2;
	v4 =	vadd.s32 v4, v56;
	v5 =	vadd.s32 v5, v58  }
0x1be: {  	vm12 =	vlt.s32 v4, $0x0;
	v59 =	vshra.s32 v4, $0x1F;
	v60 =	vadd.s32 $0xE10, v4  }
0x1bf: {  	vm13 =	vlt.s32 v5, $0x0;
	v61 =	vadd.s32 $0xE10, v5;
	v4 =	vsel vm12, v60, v4  }
0x1c0: {  	v63 =	vshra.s32 v5, $0x1F;
	v62 =	vsel vm13, v61, v5;
	vm14 =	vgt.s32 v4, $0xE0F  }
0x1c1: {  	[tilespmem:$0x580] =	vst v3;
	v6 =	vadd.s32 v6, v59;
	vm15 =	vgt.s32 v62, $0xE0F;
	v3 =	vsel vm14, $0x1, v0  }
0x1c2: {  	[tilespmem:$0x590] =	vst v2;
	v1 =	vadd.s32 v1, v63;
	v2 =	vadd.s32 v3, v6;
	v3 =	vsel vm15, $0x1, v0  }
0x1c3: {  	[tilespmem:$0x5A0] =	vst v2;
	v1 =	vadd.s32 v3, v1  }
0x1c4: {  	[tilespmem:$0x5B0] =	vst v1  }
0x1c5: {  	[tilespmem:s15], [sflag:$0x9] =	stream.indirect.gather [spmem:s1], $0x80, s14, s7, $0xb8;
	[tilespmem:$0x106C0] =	vst v63  }
0x1c6: {  	_ =	swait.ge [sflag:s16], $0x800  }
0x1c7: {  	[sflag:s16] =	ssyncset.done $0x0  }
0x1c8: {  	[sflag:s16] =	ssyncadd.s32 $0xFFFFF800  }
0x1c9: {  	[hbm4b:s3+s2] =	stream.linear.scatter [tilespmem:s5], [sflag:$0xA], $0x800, $0x38;
	[tilespmem:$0x106C0] =	vst v63  }
0x1ca: {  	_ =	swait.ge [sflag:s17], $0x1800  }
0x1cb: {  	[sflag:s17] =	ssyncset.done $0x0  }
0x1cc: {  	s28 =	rddreg [dreg:$0x8];
	[sflag:s17] =	ssyncadd.s32 $0xFFFFE800  }
0x1cd: {  	[hbm4b:s28+s2] =	stream.linear.scatter [tilespmem:s6], [sflag:$0xA], $0x1800, $0x38;
	[tilespmem:$0x106C0] =	vst v63  }
0x1ce: {  	_ =	swait.ge [sflag:s18], $0x2000  }
0x1cf: {  	[sflag:s18] =	ssyncset.done $0x0  }
0x1d0: {  	s29 =	rddreg [dreg:$0x9];
	[sflag:s18] =	ssyncadd.s32 $0xFFFFE000  }
0x1d1: {  	[hbm4b:s29+s2] =	stream.linear.scatter [tilespmem:s8], [sflag:$0xA], $0x2000, $0x38;
	[tilespmem:$0x106C0] =	vst v63  }
0x1d2: {  	_ =	swait.ge [sflag:s19], $0x2000  }
0x1d3: {  	[sflag:s19] =	ssyncset.done $0x0  }
0x1d4: {  	s30 =	rddreg [dreg:$0xa];
	[sflag:s19] =	ssyncadd.s32 $0xFFFFE000  }
0x1d5: {  	[hbm4b:s30+s2] =	stream.linear.scatter [tilespmem:s9], [sflag:$0xA], $0x2000, $0x38;
	[tilespmem:$0x106C0] =	vst v63  }
0x1d6: {  	_ =	swait.ge [sflag:s20], $0x2000  }
0x1d7: {  	[sflag:s20] =	ssyncset.done $0x0  }
0x1d8: {  	s31 =	rddreg [dreg:$0xb];
	[sflag:s20] =	ssyncadd.s32 $0xFFFFE000  }
0x1d9: {  	[hbm4b:s31+s2] =	stream.linear.scatter [tilespmem:s10], [sflag:$0xA], $0x2000, $0x38;
	[tilespmem:$0x106C0] =	vst v63  }
0x1da: {  	_ =	swait.ge [sflag:s21], $0x2000  }
0x1db: {  	[sflag:s21] =	ssyncset.done $0x0  }
0x1dc: {  	s28 =	rddreg [dreg:$0xc];
	[sflag:s21] =	ssyncadd.s32 $0xFFFFE000  }
0x1dd: {  	[hbm4b:s28+s2] =	stream.linear.scatter [tilespmem:s11], [sflag:$0xA], $0x2000, $0x38;
	[tilespmem:$0x106C0] =	vst v63  }
0x1de: {  	_ =	swait.ge [sflag:s22], $0x2000  }
0x1df: {  	[sflag:s22] =	ssyncset.done $0x0  }
0x1e0: {  	s29 =	rddreg [dreg:$0xd];
	[sflag:s22] =	ssyncadd.s32 $0xFFFFE000  }
0x1e1: {  	[hbm4b:s29+s2] =	stream.linear.scatter [tilespmem:s12], [sflag:$0xA], $0x2000, $0x38;
	[tilespmem:$0x106C0] =	vst v63  }
0x1e2: {  	_ =	swait.ge [sflag:s23], $0x2000  }
0x1e3: {  	[sflag:s23] =	ssyncset.done $0x0  }
0x1e4: {  	s30 =	rddreg [dreg:$0xe];
	[sflag:s23] =	ssyncadd.s32 $0xFFFFE000  }
0x1e5: {  	[hbm4b:s30+s2] =	stream.linear.scatter [tilespmem:s13], [sflag:$0xA], $0x2000, $0x38;
	[tilespmem:$0x106C0] =	vst v63  }
0x1e6: {  	_ =	swait.ge [sflag:s24], $0x2000  }
0x1e7: {  	[sflag:s24] =	ssyncset.done $0x0  }
0x1e8: {  	s31 =	rddreg [dreg:$0xf];
	[sflag:s24] =	ssyncadd.s32 $0xFFFFE000  }
0x1e9: {  	[hbm4b:s31+s2] =	stream.linear.scatter [tilespmem:s15], [sflag:$0xA], $0x2000, $0x38;
	[tilespmem:$0x106C0] =	vst v63  }
0x1ea: {  	_ =	swait.ge [sflag:s25], $0x800  }
0x1eb: {  	[sflag:s25] =	ssyncset.done $0x0  }
0x1ec: {  	[sflag:s25] =	ssyncadd.s32 $0xFFFFF800  }
0x1ed: {  	_ =	swait.ge [sflag:s25], $0x1800  }
0x1ee: {  	[sflag:s25] =	ssyncset.done $0x0  }
0x1ef: {  	[sflag:s25] =	ssyncadd.s32 $0xFFFFE800  }
0x1f0: {  	_ =	swait.ge [sflag:s25], $0x2000  }
0x1f1: {  	[sflag:s25] =	ssyncset.done $0x0  }
0x1f2: {  	[sflag:s25] =	ssyncadd.s32 $0xFFFFE000  }
0x1f3: {  	_ =	swait.ge [sflag:s25], $0x2000  }
0x1f4: {  	[sflag:s25] =	ssyncset.done $0x0  }
0x1f5: {  	[sflag:s25] =	ssyncadd.s32 $0xFFFFE000  }
0x1f6: {  	_ =	swait.ge [sflag:s25], $0x2000  }
0x1f7: {  	[sflag:s25] =	ssyncset.done $0x0  }
0x1f8: {  	[sflag:s25] =	ssyncadd.s32 $0xFFFFE000  }
0x1f9: {  	_ =	swait.ge [sflag:s25], $0x2000  }
0x1fa: {  	[sflag:s25] =	ssyncset.done $0x0  }
0x1fb: {  	[sflag:s25] =	ssyncadd.s32 $0xFFFFE000  }
0x1fc: {  	_ =	swait.ge [sflag:s25], $0x2000  }
0x1fd: {  	[sflag:s25] =	ssyncset.done $0x0  }
0x1fe: {  	s4 =	sadd.s32 $0xFFFFFFFF, s4;
	[sflag:s25] =	ssyncadd.s32 $0xFFFFE000  }
0x1ff: {  	p1 =	sne.s32 s4, $0x0;
	_ =	swait.ge [sflag:s25], $0x2000  }
.Ltmp0:
0x200: {  	[sflag:s25] =	ssyncset.done $0x0;
	(pc) =	sbr.rel @p1 .LBB2_1-.Ltmp0, $4  }
0x201: {  	[sflag:s25] =	ssyncadd.s32 $0xFFFFE000  }
0x202: {  	_ =	swait.ge [sflag:s25], $0x2000  }
0x203: {  	[sflag:s25] =	ssyncset.done $0x0  }
0x204: {  	[sflag:s25] =	ssyncadd.s32 $0xFFFFE000  }
0x205: {  	_ =	sfence.sel $0x180000  }
0x206: {  	[bflag:$0x0] =	sbarrier.arrive $0xFFFF  }
0x207: {  	_ =	strace $0x90000047  }
0x208: {  	s0 =	sadd.s32 @!p0 $0x100000, s0;
	[bflag:$0x2] =	sbarrier.arrive $0xFFFF  }
0x209: {  	[sflag:s0] =	ssyncadd.tile.s32 @!p0 $0x1;
	_ =	shalt  }
.Lfunc_end2:
_tile_overlayer_lowered:
.L_overlay_start_2:
0x20a: {  	(tag) =	ssettag $0x2  }
0x20b: {  	s0 =	rddreg [dreg:$0x0];
	s2 =	stileid.u32  }
0x20c: {  	s1 =	rddreg [dreg:$0x1];
	p0 =	sne.s32 s2, $0x0  }
0x20d: {  	s3 =	rddreg [dreg:$0x2];
	[bflag:$0x3] =	sbarrier.arrive $0xFFFF;
	s2 =	simm.s32 @!p0 $0x1C0C  }
0x20e: {  	[timem:s3], [sflag:s2] =	dma.local @!p0 [hbm:s0], s1  }
0x20f: {  	s0 =	simm.s32 @!p0 $0xC  }
0x210: {  	_ =	swait.ge @!p0 [sflag:s0], s1  }
0x211: {  	s1 =	ssub.s32 @!p0 $0x0, s1;
	[sflag:s0] =	ssyncset.done @!p0 $0x0  }
0x212: {  	[sflag:s0] =	ssyncadd.s32 @!p0 s1  }
0x213: {  	[bflag:$0x3] =	sbarrier.arrive $0xFFFF  }
0x214: {  	_ =	shalt  }

</sc_bundles>
